<compile_context>
chip_gen: v7x
topology: tpu7x:2x2x1
jax: 0.10.2.dev20260603
libtpu: 0.0.44.dev20260713+nightly
codegen_flags: <defaults>
</compile_context>

<pallas_src>
import functools

import numpy as np

import jax
import jax.numpy as jnp
from jax import lax
from jax.experimental import pallas as pl
from jax.experimental.pallas import tpu as pltpu
from jax.experimental.pallas import tpu_sc as plsc

_N_TOKENS = 16384
_D_MODEL = 4096
_N_EXPERTS = 64
_TOP_K = 8
_SCALE = 2.5
_MM_BLOCK = 1024

_NW = 32
_TPW = _N_TOKENS // _NW

_INT_MIN = np.int32(-2147483648)


def _gates_body(x_ref, w_ref, o_ref):
    gates = jax.lax.dot_general(
        x_ref[...], w_ref[...], (((1,), (1,)), ((), ())),
        preferred_element_type=jnp.float32)
    o_ref[...] = jax.nn.sigmoid(gates)


def _tc_orig(x, weight):
    n_tokens, d_model = x.shape
    n_experts = weight.shape[0]
    return pl.pallas_call(
        _gates_body,
        grid=(n_tokens // _MM_BLOCK,),
        in_specs=[
            pl.BlockSpec((_MM_BLOCK, d_model), lambda i: (i, 0)),
            pl.BlockSpec((n_experts, d_model), lambda i: (0, 0)),
        ],
        out_specs=pl.BlockSpec((_MM_BLOCK, n_experts), lambda i: (i, 0)),
        out_shape=jax.ShapeDtypeStruct((n_tokens, n_experts), jnp.float32),
        compiler_params=pltpu.CompilerParams(
            dimension_semantics=("parallel",)),
    )(x, weight)


def _mono(v):
    b = plsc.bitcast(v, jnp.int32)
    return jnp.where(b < 0, _INT_MIN - b, b)


def _sorted_keys(k):
    res = plsc.sort_key_val(k, k)
    if isinstance(res, (tuple, list)):
        return res[0]
    return res


def _sc_router_body(orig_hbm, bias_hbm, inds_hbm, sel_hbm, slab, biasv,
                    sscr, t2scr, dscr, csscr, oinds, osel):
    wid = lax.axis_index("s") * 2 + lax.axis_index("c")
    base = wid * _TPW
    pltpu.sync_copy(orig_hbm.at[pl.ds(base * _N_EXPERTS,
                                      _TPW * _N_EXPERTS)], slab)
    pltpu.sync_copy(bias_hbm, biasv)

    lane = lax.iota(jnp.int32, 16)
    lane8 = lane & 7
    hidx = lane8 * 8
    zids = jnp.where(lane < 15, lane - 7, 9)
    cids = jnp.where(lane < 8, hidx, zids)
    low = lane < 8
    biases = [biasv[pl.ds(16 * j, 16)] for j in range(4)]
    seg_hi = jnp.where(low, 0, jnp.int32(1) << 29)
    t2idx = 16 * (lane8 // 2) + 8 * (lane8 % 2) + 6

    def one_token(t, parity):
        slot = parity * _N_EXPERTS
        trow = lane * 0 + t * _N_EXPERTS
        for j in range(4):
            v = plsc.load_gather(slab, [trow + (lane + 16 * j)]) + biases[j]
            sscr[pl.ds(slot + 16 * j, 16)] = v
            pkey = (_mono(v) >> 3) + seg_hi
            t2scr[pl.ds(slot + 16 * j, 16)] = plsc.sort_key_val(pkey, v)[1]

        gs = (plsc.load_gather(t2scr, [slot + t2idx])
              + plsc.load_gather(t2scr, [slot + t2idx + 1]))
        gkey = (_mono(gs) & jnp.int32(-8)) | lane8
        gkey = jnp.where(low, gkey, jnp.int32(2147483647))
        sgk = _sorted_keys(gkey)
        plsc.store_scatter(dscr, [parity * 8 + (sgk & 7)],
                           jnp.where(lane < 4, 1.0, 0.0), mask=low)

        hvals = plsc.load_gather(sscr, [slot + hidx])
        dflag = plsc.load_gather(dscr, [parity * 8 + lane8])
        cvals = jnp.where(low & (dflag > 0.5), hvals, 0.0)
        ckey = (_mono(cvals) & jnp.int32(-64)) | cids
        sck = _sorted_keys(ckey)
        ids = sck & 63

        ovals = plsc.load_gather(slab, [trow + ids])
        svals = jnp.where(low, ovals, 0.0)
        csscr[pl.ds(parity * 16, 16)] = plsc.cumsum(svals)
        denom = plsc.load_gather(csscr, [lane * 0 + parity * 16 + 15])
        selv = svals / (denom + 1e-20) * _SCALE

        orow = lane * 0 + t * _TOP_K
        plsc.store_scatter(oinds, [orow + lane], ids, mask=low)
        plsc.store_scatter(osel, [orow + lane], selv, mask=low)

    def token_pair(i, carry):
        one_token(2 * i, 0)
        one_token(2 * i + 1, 1)
        return carry

    lax.fori_loop(0, _TPW // 2, token_pair, 0)
    pltpu.sync_copy(oinds, inds_hbm.at[pl.ds(base * _TOP_K,
                                             _TPW * _TOP_K)])
    pltpu.sync_copy(osel, sel_hbm.at[pl.ds(base * _TOP_K,
                                           _TPW * _TOP_K)])


@functools.cache
def _sc_router():
    mesh = plsc.VectorSubcoreMesh(core_axis_name="c", subcore_axis_name="s")
    return pl.kernel(
        _sc_router_body,
        mesh=mesh,
        compiler_params=pltpu.CompilerParams(needs_layout_passes=False),
        out_type=[
            jax.ShapeDtypeStruct((_N_TOKENS * _TOP_K,), jnp.int32),
            jax.ShapeDtypeStruct((_N_TOKENS * _TOP_K,), jnp.float32),
        ],
        scratch_types=[
            pltpu.VMEM((_TPW * _N_EXPERTS,), jnp.float32),
            pltpu.VMEM((_N_EXPERTS,), jnp.float32),
            pltpu.VMEM((2 * _N_EXPERTS,), jnp.float32),
            pltpu.VMEM((2 * _N_EXPERTS,), jnp.float32),
            pltpu.VMEM((16,), jnp.float32),
            pltpu.VMEM((32,), jnp.float32),
            pltpu.VMEM((_TPW * _TOP_K,), jnp.int32),
            pltpu.VMEM((_TPW * _TOP_K,), jnp.float32),
        ],
    )


def kernel(x, weight, e_score_correction_bias):
    orig = _tc_orig(x, weight)
    inds, sel = _sc_router()(orig.reshape(-1), e_score_correction_bias)
    return (inds.reshape(_N_TOKENS, _TOP_K),
            sel.reshape(_N_TOKENS, _TOP_K))

# --- scband reference (transcript-rebuilt; emitter-appended) ---
"""Pipeline reference for scband-mo-egate-43963285242559 (READ-ONLY COPY).

The authoritative reference and input builder live on the scoring server;
editing this copy changes nothing except your own understanding.
"""

import jax, jax.numpy as jnp
import numpy as np

N_TOKENS = 16384
D_MODEL = 4096
N_EXPERTS = 64
TOP_K = 8
N_GROUP = 8
TOPK_GROUP = 4
ROUTED_SCALING_FACTOR = 2.5
NORM_TOPK_PROB = True


def setup_inputs(seed: int = 0) -> dict:
    key = jax.random.key(seed)
    k1, k2, k3 = jax.random.split(key, 3)
    x = jax.random.normal(k1, (N_TOKENS, D_MODEL), dtype=jnp.float32)
    weight = jax.random.normal(k2, (N_EXPERTS, D_MODEL), dtype=jnp.float32) * 0.02
    e_score_correction_bias = jax.random.normal(k3, (N_EXPERTS,), dtype=jnp.float32) * 0.01
    return {"x": x, "weight": weight, "e_score_correction_bias": e_score_correction_bias}


def reference(x, weight, e_score_correction_bias):
    gates = x @ weight.T
    orig_scores = jax.nn.sigmoid(gates.astype(jnp.float32))
    scores = orig_scores + e_score_correction_bias
    if N_GROUP > 1:
        n = scores.shape[0]
        s = scores.reshape(n, N_GROUP, -1)
        # group score = sum of top-2 expert scores in each group
        top2 = jax.lax.top_k(s, 2)[0]
        group_scores = top2.sum(axis=-1)  # [n, N_GROUP]
        k = N_GROUP - TOPK_GROUP
        # indices of the k smallest group scores (torch.topk(..., largest=False))
        group_idx = jax.lax.top_k(-group_scores, k)[1]  # [n, k]
        # mask = ones; scatter_(dim=-2, group_idx[..., None], False) only touches
        # element 0 of the last dim for the selected groups (faithful to torch scatter_)
        mask = jnp.ones(s.shape, dtype=bool)
        mask = mask.at[jnp.arange(n)[:, None], group_idx, 0].set(False)
        s = jnp.where(mask, 0.0, s)
        scores = s.reshape(n, -1)
    # torch.topk(-scores, k).indices -> indices of k smallest scores
    inds = jax.lax.top_k(-scores, TOP_K)[1]
    sel = jnp.take_along_axis(orig_scores, inds, axis=-1)
    if TOP_K > 1 and NORM_TOPK_PROB:
        denom = sel.sum(axis=-1, keepdims=True)
        sel = sel / (denom + 1e-20)
    sel = sel * ROUTED_SCALING_FACTOR
    return inds, sel

if __name__ == "__main__":
    import jax
    _d = setup_inputs()
    print(jax.jit(kernel)(*tuple(_d.values())))

</pallas_src>

<mosaic_0001>
#map = affine_map<(d0, d1) -> (0)>
module attributes {stable_mosaic.version = 14 : i64} {
  func.func @_sc_router_body(%arg0: i32, %arg1: i32, %arg2: memref<1048576xf32, #tpu.memory_space<hbm>>, %arg3: memref<64xf32, #tpu.memory_space<hbm>>, %arg4: memref<131072xi32, #tpu.memory_space<hbm>>, %arg5: memref<131072xf32, #tpu.memory_space<hbm>>, %arg6: memref<32768xf32, #tpu.memory_space<vmem>>, %arg7: memref<64xf32, #tpu.memory_space<vmem>>, %arg8: memref<128xf32, #tpu.memory_space<vmem>>, %arg9: memref<128xf32, #tpu.memory_space<vmem>>, %arg10: memref<16xf32, #tpu.memory_space<vmem>>, %arg11: memref<32xf32, #tpu.memory_space<vmem>>, %arg12: memref<4096xi32, #tpu.memory_space<vmem>>, %arg13: memref<4096xf32, #tpu.memory_space<vmem>>) attributes {dimension_semantics = [#tpu.dimension_semantics<core_parallel>, #tpu.dimension_semantics<subcore_parallel>], iteration_bounds = array<i64: 2, 16>, scalar_prefetch = 0 : i64, scratch_operands = 8 : i64, tpu.core_type = #tpu.core_type<sc_vector_subcore>, window_params = [{transform_indices = #map}, {transform_indices = #map}, {transform_indices = #map}, {transform_indices = #map}]} {
    %mul3A = arith.constant 2 : i32
    %mul3A_0 = arith.muli %arg1, %mul3A : i32
    %add3A = arith.addi %mul3A_0, %arg0 : i32
    %mul3A_1 = arith.constant 512 : i32
    %mul3A_2 = arith.muli %add3A, %mul3A_1 : i32
    %mul3A_3 = arith.constant 64 : i32
    %mul3A_4 = arith.muli %mul3A_2, %mul3A_3 : i32
    "tpu.region"() ({
      %run_scoped3A = tpu.sem_alloc : memref<!tpu.dma_semaphore, #tpu.memory_space<semaphore_mem>>
      %dma_start3A = tpu.memref_slice %arg2[%mul3A_4] : memref<1048576xf32, #tpu.memory_space<hbm>> -> memref<32768xf32, #tpu.memory_space<hbm>>
      %dma_start3A_101 = tpu.memref_slice %arg2[%mul3A_4] : memref<1048576xf32, #tpu.memory_space<hbm>> -> memref<32768xf32, #tpu.memory_space<hbm>>
      tpu.enqueue_dma source(%dma_start3A_101 : memref<32768xf32, #tpu.memory_space<hbm>>) target(%arg6 : memref<32768xf32, #tpu.memory_space<vmem>>) target_semaphore(%run_scoped3A : memref<!tpu.dma_semaphore, #tpu.memory_space<semaphore_mem>>)
      %dma_wait3A = tpu.memref_slice %arg2[%mul3A_4] : memref<1048576xf32, #tpu.memory_space<hbm>> -> memref<32768xf32, #tpu.memory_space<hbm>>
      %dma_wait3A_102 = tpu.memref_slice %arg2[%mul3A_4] : memref<1048576xf32, #tpu.memory_space<hbm>> -> memref<32768xf32, #tpu.memory_space<hbm>>
      tpu.wait_dma2 semaphore(%run_scoped3A : memref<!tpu.dma_semaphore, #tpu.memory_space<semaphore_mem>>) src(%dma_wait3A_102 : memref<32768xf32, #tpu.memory_space<hbm>>) dst(%arg6 : memref<32768xf32, #tpu.memory_space<vmem>>)
      tpu.yield
    }) : () -> ()
    "tpu.region"() ({
      %run_scoped3A = tpu.sem_alloc : memref<!tpu.dma_semaphore, #tpu.memory_space<semaphore_mem>>
      tpu.enqueue_dma source(%arg3 : memref<64xf32, #tpu.memory_space<hbm>>) target(%arg7 : memref<64xf32, #tpu.memory_space<vmem>>) target_semaphore(%run_scoped3A : memref<!tpu.dma_semaphore, #tpu.memory_space<semaphore_mem>>)
      tpu.wait_dma2 semaphore(%run_scoped3A : memref<!tpu.dma_semaphore, #tpu.memory_space<semaphore_mem>>) src(%arg3 : memref<64xf32, #tpu.memory_space<hbm>>) dst(%arg7 : memref<64xf32, #tpu.memory_space<vmem>>)
      tpu.yield
    }) : () -> ()
    %iota3A = tpu.iota {dimensions = array<i32: 0>} : vector<16xi32>
    %and3A = arith.constant 7 : i32
    %and3A_5 = vector.broadcast %and3A : i32 to vector<16xi32>
    %and3A_6 = arith.andi %iota3A, %and3A_5 : vector<16xi32>
    %mul3A_7 = arith.constant 8 : i32
    %mul3A_8 = vector.broadcast %mul3A_7 : i32 to vector<16xi32>
    %mul3A_9 = arith.muli %and3A_6, %mul3A_8 : vector<16xi32>
    %lt3A = arith.constant 15 : i32
    %lt3A_10 = vector.broadcast %lt3A : i32 to vector<16xi32>
    %lt3A_11 = arith.cmpi slt, %iota3A, %lt3A_10 : vector<16xi32>
    %sub3A = arith.constant 7 : i32
    %sub3A_12 = vector.broadcast %sub3A : i32 to vector<16xi32>
    %sub3A_13 = arith.subi %iota3A, %sub3A_12 : vector<16xi32>
    %jit3A = arith.constant 9 : i32
    %broadcast_in_dim3A = vector.broadcast %jit3A : i32 to vector<16xi32>
    %select_n3A = arith.select %lt3A_11, %sub3A_13, %broadcast_in_dim3A : vector<16xi1>, vector<16xi32>
    %lt3A_14 = arith.constant 8 : i32
    %lt3A_15 = vector.broadcast %lt3A_14 : i32 to vector<16xi32>
    %lt3A_16 = arith.cmpi slt, %iota3A, %lt3A_15 : vector<16xi32>
    %select_n3A_17 = arith.select %lt3A_16, %mul3A_9, %select_n3A : vector<16xi1>, vector<16xi32>
    %lt3A_18 = arith.constant 8 : i32
    %lt3A_19 = vector.broadcast %lt3A_18 : i32 to vector<16xi32>
    %lt3A_20 = arith.cmpi slt, %iota3A, %lt3A_19 : vector<16xi32>
    %get3A = arith.constant 0 : index
    %get3A_21 = tpu.vector_load %arg7[%get3A] {strides = array<i32>} : memref<64xf32, #tpu.memory_space<vmem>>, vector<16xf32>,
    %get3A_22 = arith.constant 16 : index
    %get3A_23 = tpu.vector_load %arg7[%get3A_22] {strides = array<i32>} : memref<64xf32, #tpu.memory_space<vmem>>, vector<16xf32>,
    %get3A_24 = arith.constant 32 : index
    %get3A_25 = tpu.vector_load %arg7[%get3A_24] {strides = array<i32>} : memref<64xf32, #tpu.memory_space<vmem>>, vector<16xf32>,
    %get3A_26 = arith.constant 48 : index
    %get3A_27 = tpu.vector_load %arg7[%get3A_26] {strides = array<i32>} : memref<64xf32, #tpu.memory_space<vmem>>, vector<16xf32>,
    %shift_left3A = arith.constant 1 : i32
    %shift_left3A_28 = arith.constant 29 : i32
    %shift_left3A_29 = arith.shli %shift_left3A, %shift_left3A_28 : i32
    %jit3A_30 = arith.constant 0 : i32
    %broadcast_in_dim3A_31 = vector.broadcast %jit3A_30 : i32 to vector<16xi32>
    %broadcast_in_dim3A_32 = vector.broadcast %shift_left3A_29 : i32 to vector<16xi32>
    %select_n3A_33 = arith.select %lt3A_20, %broadcast_in_dim3A_31, %broadcast_in_dim3A_32 : vector<16xi1>, vector<16xi32>
    %jit3A_34 = arith.constant 2 : i32
    %div3A = vector.broadcast %jit3A_34 : i32 to vector<16xi32>
    %div3A_35 = arith.divsi %and3A_6, %div3A : vector<16xi32>
    %sign3A = arith.constant 0 : i32
    %sign3A_36 = vector.broadcast %sign3A : i32 to vector<16xi32>
    %sign3A_37 = arith.cmpi sgt, %and3A_6, %sign3A_36 : vector<16xi32>
    %sign3A_38 = arith.extui %sign3A_37 : vector<16xi1> to vector<16xi32>
    %sign3A_39 = arith.constant 0 : i32
    %sign3A_40 = vector.broadcast %sign3A_39 : i32 to vector<16xi32>
    %sign3A_41 = arith.cmpi slt, %and3A_6, %sign3A_40 : vector<16xi32>
    %sign3A_42 = arith.extui %sign3A_41 : vector<16xi1> to vector<16xi32>
    %sign3A_43 = arith.subi %sign3A_38, %sign3A_42 : vector<16xi32>
    %sign3A_44 = arith.constant 0 : i32
    %sign3A_45 = arith.cmpi sgt, %jit3A_34, %sign3A_44 : i32
    %sign3A_46 = arith.extui %sign3A_45 : i1 to i32
    %sign3A_47 = arith.constant 0 : i32
    %sign3A_48 = arith.cmpi slt, %jit3A_34, %sign3A_47 : i32
    %sign3A_49 = arith.extui %sign3A_48 : i1 to i32
    %sign3A_50 = arith.subi %sign3A_46, %sign3A_49 : i32
    %ne3A = vector.broadcast %sign3A_50 : i32 to vector<16xi32>
    %ne3A_51 = arith.cmpi ne, %sign3A_43, %ne3A : vector<16xi32>
    %rem3A = vector.broadcast %jit3A_34 : i32 to vector<16xi32>
    %rem3A_52 = arith.remsi %and3A_6, %rem3A : vector<16xi32>
    %ne3A_53 = arith.constant 0 : i32
    %ne3A_54 = vector.broadcast %ne3A_53 : i32 to vector<16xi32>
    %ne3A_55 = arith.cmpi ne, %rem3A_52, %ne3A_54 : vector<16xi32>
    %and3A_56 = arith.andi %ne3A_51, %ne3A_55 : vector<16xi1>
    %sub3A_57 = arith.constant 1 : i32
    %sub3A_58 = vector.broadcast %sub3A_57 : i32 to vector<16xi32>
    %sub3A_59 = arith.subi %div3A_35, %sub3A_58 : vector<16xi32>
    %select_n3A_60 = arith.select %and3A_56, %sub3A_59, %div3A_35 : vector<16xi1>, vector<16xi32>
    %mul3A_61 = arith.constant 16 : i32
    %mul3A_62 = vector.broadcast %mul3A_61 : i32 to vector<16xi32>
    %mul3A_63 = arith.muli %mul3A_62, %select_n3A_60 : vector<16xi32>
    %jit3A_64 = arith.constant 2 : i32
    %eq3A = arith.constant 0 : i32
    %eq3A_65 = arith.cmpi eq, %jit3A_64, %eq3A : i32
    %jit3A_66 = arith.constant 1 : i32
    %select_n3A_67 = arith.select %eq3A_65, %jit3A_66, %jit3A_64 : i32
    %rem3A_68 = vector.broadcast %select_n3A_67 : i32 to vector<16xi32>
    %rem3A_69 = arith.remsi %and3A_6, %rem3A_68 : vector<16xi32>
    %ne3A_70 = arith.constant 0 : i32
    %ne3A_71 = vector.broadcast %ne3A_70 : i32 to vector<16xi32>
    %ne3A_72 = arith.cmpi ne, %rem3A_69, %ne3A_71 : vector<16xi32>
    %lt3A_73 = arith.constant 0 : i32
    %lt3A_74 = vector.broadcast %lt3A_73 : i32 to vector<16xi32>
    %lt3A_75 = arith.cmpi slt, %rem3A_69, %lt3A_74 : vector<16xi32>
    %lt3A_76 = arith.constant 0 : i32
    %lt3A_77 = arith.cmpi slt, %select_n3A_67, %lt3A_76 : i32
    %ne3A_78 = vector.broadcast %lt3A_77 : i1 to vector<16xi1>
    %ne3A_79 = vector.broadcast %ne3A_78 : vector<16xi1> to vector<16xi1>
    %ne3A_80 = arith.xori %lt3A_75, %ne3A_79 : vector<16xi1>
    %and3A_81 = arith.andi %ne3A_80, %ne3A_72 : vector<16xi1>
    %add3A_82 = vector.broadcast %select_n3A_67 : i32 to vector<16xi32>
    %add3A_83 = arith.addi %rem3A_69, %add3A_82 : vector<16xi32>
    %select_n3A_84 = arith.select %and3A_81, %add3A_83, %rem3A_69 : vector<16xi1>, vector<16xi32>
    %mul3A_85 = arith.constant 8 : i32
    %mul3A_86 = vector.broadcast %mul3A_85 : i32 to vector<16xi32>
    %mul3A_87 = arith.muli %mul3A_86, %select_n3A_84 : vector<16xi32>
    %add3A_88 = arith.addi %mul3A_63, %mul3A_87 : vector<16xi32>
    %add3A_89 = arith.constant 6 : i32
    %add3A_90 = vector.broadcast %add3A_89 : i32 to vector<16xi32>
    %add3A_91 = arith.addi %add3A_88, %add3A_90 : vector<16xi32>
    %scan3A = arith.constant 0 : i32
    %scan3A_92 = arith.constant 0 : i32
    %scan3A_93 = arith.constant 256 : i32
    %scan3A_94 = arith.addi %scan3A_92, %scan3A_93 : i32
    %scan3A_95 = arith.constant 1 : i32
    scf.for %scan3A_101 = %scan3A_92 to %scan3A_94 step %scan3A_95  : i32 {
      %mul3A_102 = arith.constant 2 : i32
      %mul3A_103 = arith.muli %mul3A_102, %scan3A_101 : i32
      %mul3A_104 = arith.constant 0 : i32
      %mul3A_105 = vector.broadcast %mul3A_104 : i32 to vector<16xi32>
      %mul3A_106 = arith.muli %iota3A, %mul3A_105 : vector<16xi32>
      %mul3A_107 = arith.constant 64 : i32
      %mul3A_108 = arith.muli %mul3A_103, %mul3A_107 : i32
      %add3A_109 = vector.broadcast %mul3A_108 : i32 to vector<16xi32>
      %add3A_110 = arith.addi %mul3A_106, %add3A_109 : vector<16xi32>
      %add3A_111 = arith.constant 0 : i32
      %add3A_112 = vector.broadcast %add3A_111 : i32 to vector<16xi32>
      %add3A_113 = arith.addi %iota3A, %add3A_112 : vector<16xi32>
      %add3A_114 = arith.addi %add3A_110, %add3A_113 : vector<16xi32>
      %gather3A = tpu.vector_load_idx %arg6[%add3A_114] : memref<32768xf32, #tpu.memory_space<vmem>>[vector<16xi32>], vector<16xf32>,
      %add3A_115 = arith.addf %gather3A, %get3A_21 : vector<16xf32>
      %swap3A = arith.constant 0 : index
      %swap3A_116 = tpu.vector_load %arg8[%swap3A] {strides = array<i32>} : memref<128xf32, #tpu.memory_space<vmem>>, vector<16xf32>,
      tpu.vector_store %arg8[%swap3A], %add3A_115 {strides = array<i32>} : memref<128xf32, #tpu.memory_space<vmem>>, vector<16xf32>,
      %bitcast3A = vector.bitcast %add3A_115 : vector<16xf32> to vector<16xi32>
      %lt3A_117 = arith.constant 0 : i32
      %lt3A_118 = vector.broadcast %lt3A_117 : i32 to vector<16xi32>
      %lt3A_119 = arith.cmpi slt, %bitcast3A, %lt3A_118 : vector<16xi32>
      %sub3A_120 = arith.constant -2147483648 : i32
      %sub3A_121 = vector.broadcast %sub3A_120 : i32 to vector<16xi32>
      %sub3A_122 = arith.subi %sub3A_121, %bitcast3A : vector<16xi32>
      %select_n3A_123 = arith.select %lt3A_119, %sub3A_122, %bitcast3A : vector<16xi1>, vector<16xi32>
      %shift_right_arithmetic3A = arith.constant 3 : i32
      %shift_right_arithmetic3A_124 = vector.broadcast %shift_right_arithmetic3A : i32 to vector<16xi32>
      %shift_right_arithmetic3A_125 = arith.shrsi %select_n3A_123, %shift_right_arithmetic3A_124 : vector<16xi32>
      %add3A_126 = arith.addi %shift_right_arithmetic3A_125, %select_n3A_33 : vector<16xi32>
      %masked_sort3A = arith.constant dense<true> : vector<16xi1>
      %masked_sort3A_127 = arith.constant -2147483648 : i32
      %masked_sort3A_128 = vector.broadcast %masked_sort3A_127 : i32 to vector<16xi32>
      %masked_sort3A_129 = arith.xori %add3A_126, %masked_sort3A_128 : vector<16xi32>
      %masked_sort3A_130, %masked_sort3A_131, %masked_sort3A_132 = tpu.sort %masked_sort3A_129, %add3A_115 masked %masked_sort3A : (vector<16xi32>, vector<16xf32>, vector<16xi1>) -> (vector<16xi1>, vector<16xi32>, vector<16xf32>)
      %masked_sort3A_133 = arith.xori %masked_sort3A_131, %masked_sort3A_128 : vector<16xi32>
      %swap3A_134 = arith.constant 0 : index
      %swap3A_135 = tpu.vector_load %arg9[%swap3A_134] {strides = array<i32>} : memref<128xf32, #tpu.memory_space<vmem>>, vector<16xf32>,
      tpu.vector_store %arg9[%swap3A_134], %masked_sort3A_132 {strides = array<i32>} : memref<128xf32, #tpu.memory_space<vmem>>, vector<16xf32>,
      %add3A_136 = arith.constant 16 : i32
      %add3A_137 = vector.broadcast %add3A_136 : i32 to vector<16xi32>
      %add3A_138 = arith.addi %iota3A, %add3A_137 : vector<16xi32>
      %add3A_139 = arith.addi %add3A_110, %add3A_138 : vector<16xi32>
      %gather3A_140 = tpu.vector_load_idx %arg6[%add3A_139] : memref<32768xf32, #tpu.memory_space<vmem>>[vector<16xi32>], vector<16xf32>,
      %add3A_141 = arith.addf %gather3A_140, %get3A_23 : vector<16xf32>
      %swap3A_142 = arith.constant 16 : index
      %swap3A_143 = tpu.vector_load %arg8[%swap3A_142] {strides = array<i32>} : memref<128xf32, #tpu.memory_space<vmem>>, vector<16xf32>,
      tpu.vector_store %arg8[%swap3A_142], %add3A_141 {strides = array<i32>} : memref<128xf32, #tpu.memory_space<vmem>>, vector<16xf32>,
      %bitcast3A_144 = vector.bitcast %add3A_141 : vector<16xf32> to vector<16xi32>
      %lt3A_145 = arith.constant 0 : i32
      %lt3A_146 = vector.broadcast %lt3A_145 : i32 to vector<16xi32>
      %lt3A_147 = arith.cmpi slt, %bitcast3A_144, %lt3A_146 : vector<16xi32>
      %sub3A_148 = arith.constant -2147483648 : i32
      %sub3A_149 = vector.broadcast %sub3A_148 : i32 to vector<16xi32>
      %sub3A_150 = arith.subi %sub3A_149, %bitcast3A_144 : vector<16xi32>
      %select_n3A_151 = arith.select %lt3A_147, %sub3A_150, %bitcast3A_144 : vector<16xi1>, vector<16xi32>
      %shift_right_arithmetic3A_152 = arith.constant 3 : i32
      %shift_right_arithmetic3A_153 = vector.broadcast %shift_right_arithmetic3A_152 : i32 to vector<16xi32>
      %shift_right_arithmetic3A_154 = arith.shrsi %select_n3A_151, %shift_right_arithmetic3A_153 : vector<16xi32>
      %add3A_155 = arith.addi %shift_right_arithmetic3A_154, %select_n3A_33 : vector<16xi32>
      %masked_sort3A_156 = arith.constant dense<true> : vector<16xi1>
      %masked_sort3A_157 = arith.constant -2147483648 : i32
      %masked_sort3A_158 = vector.broadcast %masked_sort3A_157 : i32 to vector<16xi32>
      %masked_sort3A_159 = arith.xori %add3A_155, %masked_sort3A_158 : vector<16xi32>
      %masked_sort3A_160, %masked_sort3A_161, %masked_sort3A_162 = tpu.sort %masked_sort3A_159, %add3A_141 masked %masked_sort3A_156 : (vector<16xi32>, vector<16xf32>, vector<16xi1>) -> (vector<16xi1>, vector<16xi32>, vector<16xf32>)
      %masked_sort3A_163 = arith.xori %masked_sort3A_161, %masked_sort3A_158 : vector<16xi32>
      %swap3A_164 = arith.constant 16 : index
      %swap3A_165 = tpu.vector_load %arg9[%swap3A_164] {strides = array<i32>} : memref<128xf32, #tpu.memory_space<vmem>>, vector<16xf32>,
      tpu.vector_store %arg9[%swap3A_164], %masked_sort3A_162 {strides = array<i32>} : memref<128xf32, #tpu.memory_space<vmem>>, vector<16xf32>,
      %add3A_166 = arith.constant 32 : i32
      %add3A_167 = vector.broadcast %add3A_166 : i32 to vector<16xi32>
      %add3A_168 = arith.addi %iota3A, %add3A_167 : vector<16xi32>
      %add3A_169 = arith.addi %add3A_110, %add3A_168 : vector<16xi32>
      %gather3A_170 = tpu.vector_load_idx %arg6[%add3A_169] : memref<32768xf32, #tpu.memory_space<vmem>>[vector<16xi32>], vector<16xf32>,
      %add3A_171 = arith.addf %gather3A_170, %get3A_25 : vector<16xf32>
      %swap3A_172 = arith.constant 32 : index
      %swap3A_173 = tpu.vector_load %arg8[%swap3A_172] {strides = array<i32>} : memref<128xf32, #tpu.memory_space<vmem>>, vector<16xf32>,
      tpu.vector_store %arg8[%swap3A_172], %add3A_171 {strides = array<i32>} : memref<128xf32, #tpu.memory_space<vmem>>, vector<16xf32>,
      %bitcast3A_174 = vector.bitcast %add3A_171 : vector<16xf32> to vector<16xi32>
      %lt3A_175 = arith.constant 0 : i32
      %lt3A_176 = vector.broadcast %lt3A_175 : i32 to vector<16xi32>
      %lt3A_177 = arith.cmpi slt, %bitcast3A_174, %lt3A_176 : vector<16xi32>
      %sub3A_178 = arith.constant -2147483648 : i32
      %sub3A_179 = vector.broadcast %sub3A_178 : i32 to vector<16xi32>
      %sub3A_180 = arith.subi %sub3A_179, %bitcast3A_174 : vector<16xi32>
      %select_n3A_181 = arith.select %lt3A_177, %sub3A_180, %bitcast3A_174 : vector<16xi1>, vector<16xi32>
      %shift_right_arithmetic3A_182 = arith.constant 3 : i32
      %shift_right_arithmetic3A_183 = vector.broadcast %shift_right_arithmetic3A_182 : i32 to vector<16xi32>
      %shift_right_arithmetic3A_184 = arith.shrsi %select_n3A_181, %shift_right_arithmetic3A_183 : vector<16xi32>
      %add3A_185 = arith.addi %shift_right_arithmetic3A_184, %select_n3A_33 : vector<16xi32>
      %masked_sort3A_186 = arith.constant dense<true> : vector<16xi1>
      %masked_sort3A_187 = arith.constant -2147483648 : i32
      %masked_sort3A_188 = vector.broadcast %masked_sort3A_187 : i32 to vector<16xi32>
      %masked_sort3A_189 = arith.xori %add3A_185, %masked_sort3A_188 : vector<16xi32>
      %masked_sort3A_190, %masked_sort3A_191, %masked_sort3A_192 = tpu.sort %masked_sort3A_189, %add3A_171 masked %masked_sort3A_186 : (vector<16xi32>, vector<16xf32>, vector<16xi1>) -> (vector<16xi1>, vector<16xi32>, vector<16xf32>)
      %masked_sort3A_193 = arith.xori %masked_sort3A_191, %masked_sort3A_188 : vector<16xi32>
      %swap3A_194 = arith.constant 32 : index
      %swap3A_195 = tpu.vector_load %arg9[%swap3A_194] {strides = array<i32>} : memref<128xf32, #tpu.memory_space<vmem>>, vector<16xf32>,
      tpu.vector_store %arg9[%swap3A_194], %masked_sort3A_192 {strides = array<i32>} : memref<128xf32, #tpu.memory_space<vmem>>, vector<16xf32>,
      %add3A_196 = arith.constant 48 : i32
      %add3A_197 = vector.broadcast %add3A_196 : i32 to vector<16xi32>
      %add3A_198 = arith.addi %iota3A, %add3A_197 : vector<16xi32>
      %add3A_199 = arith.addi %add3A_110, %add3A_198 : vector<16xi32>
      %gather3A_200 = tpu.vector_load_idx %arg6[%add3A_199] : memref<32768xf32, #tpu.memory_space<vmem>>[vector<16xi32>], vector<16xf32>,
      %add3A_201 = arith.addf %gather3A_200, %get3A_27 : vector<16xf32>
      %swap3A_202 = arith.constant 48 : index
      %swap3A_203 = tpu.vector_load %arg8[%swap3A_202] {strides = array<i32>} : memref<128xf32, #tpu.memory_space<vmem>>, vector<16xf32>,
      tpu.vector_store %arg8[%swap3A_202], %add3A_201 {strides = array<i32>} : memref<128xf32, #tpu.memory_space<vmem>>, vector<16xf32>,
      %bitcast3A_204 = vector.bitcast %add3A_201 : vector<16xf32> to vector<16xi32>
      %lt3A_205 = arith.constant 0 : i32
      %lt3A_206 = vector.broadcast %lt3A_205 : i32 to vector<16xi32>
      %lt3A_207 = arith.cmpi slt, %bitcast3A_204, %lt3A_206 : vector<16xi32>
      %sub3A_208 = arith.constant -2147483648 : i32
      %sub3A_209 = vector.broadcast %sub3A_208 : i32 to vector<16xi32>
      %sub3A_210 = arith.subi %sub3A_209, %bitcast3A_204 : vector<16xi32>
      %select_n3A_211 = arith.select %lt3A_207, %sub3A_210, %bitcast3A_204 : vector<16xi1>, vector<16xi32>
      %shift_right_arithmetic3A_212 = arith.constant 3 : i32
      %shift_right_arithmetic3A_213 = vector.broadcast %shift_right_arithmetic3A_212 : i32 to vector<16xi32>
      %shift_right_arithmetic3A_214 = arith.shrsi %select_n3A_211, %shift_right_arithmetic3A_213 : vector<16xi32>
      %add3A_215 = arith.addi %shift_right_arithmetic3A_214, %select_n3A_33 : vector<16xi32>
      %masked_sort3A_216 = arith.constant dense<true> : vector<16xi1>
      %masked_sort3A_217 = arith.constant -2147483648 : i32
      %masked_sort3A_218 = vector.broadcast %masked_sort3A_217 : i32 to vector<16xi32>
      %masked_sort3A_219 = arith.xori %add3A_215, %masked_sort3A_218 : vector<16xi32>
      %masked_sort3A_220, %masked_sort3A_221, %masked_sort3A_222 = tpu.sort %masked_sort3A_219, %add3A_201 masked %masked_sort3A_216 : (vector<16xi32>, vector<16xf32>, vector<16xi1>) -> (vector<16xi1>, vector<16xi32>, vector<16xf32>)
      %masked_sort3A_223 = arith.xori %masked_sort3A_221, %masked_sort3A_218 : vector<16xi32>
      %swap3A_224 = arith.constant 48 : index
      %swap3A_225 = tpu.vector_load %arg9[%swap3A_224] {strides = array<i32>} : memref<128xf32, #tpu.memory_space<vmem>>, vector<16xf32>,
      tpu.vector_store %arg9[%swap3A_224], %masked_sort3A_222 {strides = array<i32>} : memref<128xf32, #tpu.memory_space<vmem>>, vector<16xf32>,
      %add3A_226 = arith.constant 0 : i32
      %add3A_227 = vector.broadcast %add3A_226 : i32 to vector<16xi32>
      %add3A_228 = arith.addi %add3A_227, %add3A_91 : vector<16xi32>
      %gather3A_229 = tpu.vector_load_idx %arg9[%add3A_228] : memref<128xf32, #tpu.memory_space<vmem>>[vector<16xi32>], vector<16xf32>,
      %add3A_230 = arith.constant 0 : i32
      %add3A_231 = vector.broadcast %add3A_230 : i32 to vector<16xi32>
      %add3A_232 = arith.addi %add3A_231, %add3A_91 : vector<16xi32>
      %add3A_233 = arith.constant 1 : i32
      %add3A_234 = vector.broadcast %add3A_233 : i32 to vector<16xi32>
      %add3A_235 = arith.addi %add3A_232, %add3A_234 : vector<16xi32>
      %gather3A_236 = tpu.vector_load_idx %arg9[%add3A_235] : memref<128xf32, #tpu.memory_space<vmem>>[vector<16xi32>], vector<16xf32>,
      %add3A_237 = arith.addf %gather3A_229, %gather3A_236 : vector<16xf32>
      %bitcast3A_238 = vector.bitcast %add3A_237 : vector<16xf32> to vector<16xi32>
      %lt3A_239 = arith.constant 0 : i32
      %lt3A_240 = vector.broadcast %lt3A_239 : i32 to vector<16xi32>
      %lt3A_241 = arith.cmpi slt, %bitcast3A_238, %lt3A_240 : vector<16xi32>
      %sub3A_242 = arith.constant -2147483648 : i32
      %sub3A_243 = vector.broadcast %sub3A_242 : i32 to vector<16xi32>
      %sub3A_244 = arith.subi %sub3A_243, %bitcast3A_238 : vector<16xi32>
      %select_n3A_245 = arith.select %lt3A_241, %sub3A_244, %bitcast3A_238 : vector<16xi1>, vector<16xi32>
      %and3A_246 = arith.constant -8 : i32
      %and3A_247 = vector.broadcast %and3A_246 : i32 to vector<16xi32>
      %and3A_248 = arith.andi %select_n3A_245, %and3A_247 : vector<16xi32>
      %or3A = arith.ori %and3A_248, %and3A_6 : vector<16xi32>
      %jit3A_249 = arith.constant 2147483647 : i32
      %broadcast_in_dim3A_250 = vector.broadcast %jit3A_249 : i32 to vector<16xi32>
      %select_n3A_251 = arith.select %lt3A_20, %or3A, %broadcast_in_dim3A_250 : vector<16xi1>, vector<16xi32>
      %masked_sort3A_252 = arith.constant dense<true> : vector<16xi1>
      %masked_sort3A_253 = arith.constant -2147483648 : i32
      %masked_sort3A_254 = vector.broadcast %masked_sort3A_253 : i32 to vector<16xi32>
      %masked_sort3A_255 = arith.xori %select_n3A_251, %masked_sort3A_254 : vector<16xi32>
      %masked_sort3A_256, %masked_sort3A_257, %masked_sort3A_258 = tpu.sort %masked_sort3A_255, %select_n3A_251 masked %masked_sort3A_252 : (vector<16xi32>, vector<16xi32>, vector<16xi1>) -> (vector<16xi1>, vector<16xi32>, vector<16xi32>)
      %masked_sort3A_259 = arith.xori %masked_sort3A_257, %masked_sort3A_254 : vector<16xi32>
      %and3A_260 = arith.constant 7 : i32
      %and3A_261 = vector.broadcast %and3A_260 : i32 to vector<16xi32>
      %and3A_262 = arith.andi %masked_sort3A_259, %and3A_261 : vector<16xi32>
      %add3A_263 = arith.constant 0 : i32
      %add3A_264 = vector.broadcast %add3A_263 : i32 to vector<16xi32>
      %add3A_265 = arith.addi %add3A_264, %and3A_262 : vector<16xi32>
      %lt3A_266 = arith.constant 4 : i32
      %lt3A_267 = vector.broadcast %lt3A_266 : i32 to vector<16xi32>
      %lt3A_268 = arith.cmpi slt, %iota3A, %lt3A_267 : vector<16xi32>
      %jit3A_269 = arith.constant 1.000000e+00 : f32
      %jit3A_270 = arith.constant 0.000000e+00 : f32
      %broadcast_in_dim3A_271 = vector.broadcast %jit3A_269 : f32 to vector<16xf32>
      %broadcast_in_dim3A_272 = vector.broadcast %jit3A_270 : f32 to vector<16xf32>
      %select_n3A_273 = arith.select %lt3A_268, %broadcast_in_dim3A_271, %broadcast_in_dim3A_272 : vector<16xi1>, vector<16xf32>
      tpu.vector_store_idx %arg10[%add3A_265], %select_n3A_273 masked %lt3A_20 : memref<16xf32, #tpu.memory_space<vmem>>[vector<16xi32>], vector<16xf32>, vector<16xi1>
      %add3A_274 = arith.constant 0 : i32
      %add3A_275 = vector.broadcast %add3A_274 : i32 to vector<16xi32>
      %add3A_276 = arith.addi %add3A_275, %mul3A_9 : vector<16xi32>
      %gather3A_277 = tpu.vector_load_idx %arg8[%add3A_276] : memref<128xf32, #tpu.memory_space<vmem>>[vector<16xi32>], vector<16xf32>,
      %add3A_278 = arith.constant 0 : i32
      %add3A_279 = vector.broadcast %add3A_278 : i32 to vector<16xi32>
      %add3A_280 = arith.addi %add3A_279, %and3A_6 : vector<16xi32>
      %gather3A_281 = tpu.vector_load_idx %arg10[%add3A_280] : memref<16xf32, #tpu.memory_space<vmem>>[vector<16xi32>], vector<16xf32>,
      %gt3A = arith.constant 5.000000e-01 : f32
      %gt3A_282 = vector.broadcast %gt3A : f32 to vector<16xf32>
      %gt3A_283 = arith.cmpf ogt, %gather3A_281, %gt3A_282 : vector<16xf32>
      %and3A_284 = arith.andi %lt3A_20, %gt3A_283 : vector<16xi1>
      %jit3A_285 = arith.constant 0.000000e+00 : f32
      %broadcast_in_dim3A_286 = vector.broadcast %jit3A_285 : f32 to vector<16xf32>
      %select_n3A_287 = arith.select %and3A_284, %gather3A_277, %broadcast_in_dim3A_286 : vector<16xi1>, vector<16xf32>
      %bitcast3A_288 = vector.bitcast %select_n3A_287 : vector<16xf32> to vector<16xi32>
      %lt3A_289 = arith.constant 0 : i32
      %lt3A_290 = vector.broadcast %lt3A_289 : i32 to vector<16xi32>
      %lt3A_291 = arith.cmpi slt, %bitcast3A_288, %lt3A_290 : vector<16xi32>
      %sub3A_292 = arith.constant -2147483648 : i32
      %sub3A_293 = vector.broadcast %sub3A_292 : i32 to vector<16xi32>
      %sub3A_294 = arith.subi %sub3A_293, %bitcast3A_288 : vector<16xi32>
      %select_n3A_295 = arith.select %lt3A_291, %sub3A_294, %bitcast3A_288 : vector<16xi1>, vector<16xi32>
      %and3A_296 = arith.constant -64 : i32
      %and3A_297 = vector.broadcast %and3A_296 : i32 to vector<16xi32>
      %and3A_298 = arith.andi %select_n3A_295, %and3A_297 : vector<16xi32>
      %or3A_299 = arith.ori %and3A_298, %select_n3A_17 : vector<16xi32>
      %masked_sort3A_300 = arith.constant dense<true> : vector<16xi1>
      %masked_sort3A_301 = arith.constant -2147483648 : i32
      %masked_sort3A_302 = vector.broadcast %masked_sort3A_301 : i32 to vector<16xi32>
      %masked_sort3A_303 = arith.xori %or3A_299, %masked_sort3A_302 : vector<16xi32>
      %masked_sort3A_304, %masked_sort3A_305, %masked_sort3A_306 = tpu.sort %masked_sort3A_303, %or3A_299 masked %masked_sort3A_300 : (vector<16xi32>, vector<16xi32>, vector<16xi1>) -> (vector<16xi1>, vector<16xi32>, vector<16xi32>)
      %masked_sort3A_307 = arith.xori %masked_sort3A_305, %masked_sort3A_302 : vector<16xi32>
      %and3A_308 = arith.constant 63 : i32
      %and3A_309 = vector.broadcast %and3A_308 : i32 to vector<16xi32>
      %and3A_310 = arith.andi %masked_sort3A_307, %and3A_309 : vector<16xi32>
      %add3A_311 = arith.addi %add3A_110, %and3A_310 : vector<16xi32>
      %gather3A_312 = tpu.vector_load_idx %arg6[%add3A_311] : memref<32768xf32, #tpu.memory_space<vmem>>[vector<16xi32>], vector<16xf32>,
      %jit3A_313 = arith.constant 0.000000e+00 : f32
      %broadcast_in_dim3A_314 = vector.broadcast %jit3A_313 : f32 to vector<16xf32>
      %select_n3A_315 = arith.select %lt3A_20, %gather3A_312, %broadcast_in_dim3A_314 : vector<16xi1>, vector<16xf32>
      %broadcast_in_dim3A_316 = arith.constant true
      %broadcast_in_dim3A_317 = vector.broadcast %broadcast_in_dim3A_316 : i1 to vector<16xi1>
      %masked_cumsum3A = tpu.scan <sum>, %select_n3A_315 masked %broadcast_in_dim3A_317 : vector<16xf32>, vector<16xi1> -> vector<16xf32>
      %swap3A_318 = arith.constant 0 : index
      %swap3A_319 = tpu.vector_load %arg11[%swap3A_318] {strides = array<i32>} : memref<32xf32, #tpu.memory_space<vmem>>, vector<16xf32>,
      tpu.vector_store %arg11[%swap3A_318], %masked_cumsum3A {strides = array<i32>} : memref<32xf32, #tpu.memory_space<vmem>>, vector<16xf32>,
      %mul3A_320 = arith.constant 0 : i32
      %mul3A_321 = vector.broadcast %mul3A_320 : i32 to vector<16xi32>
      %mul3A_322 = arith.muli %iota3A, %mul3A_321 : vector<16xi32>
      %add3A_323 = arith.constant 0 : i32
      %add3A_324 = vector.broadcast %add3A_323 : i32 to vector<16xi32>
      %add3A_325 = arith.addi %mul3A_322, %add3A_324 : vector<16xi32>
      %add3A_326 = arith.constant 15 : i32
      %add3A_327 = vector.broadcast %add3A_326 : i32 to vector<16xi32>
      %add3A_328 = arith.addi %add3A_325, %add3A_327 : vector<16xi32>
      %gather3A_329 = tpu.vector_load_idx %arg11[%add3A_328] : memref<32xf32, #tpu.memory_space<vmem>>[vector<16xi32>], vector<16xf32>,
      %add3A_330 = arith.constant 9.99999968E-21 : f32
      %add3A_331 = vector.broadcast %add3A_330 : f32 to vector<16xf32>
      %add3A_332 = arith.addf %gather3A_329, %add3A_331 : vector<16xf32>
      %div3A_333 = arith.divf %select_n3A_315, %add3A_332 : vector<16xf32>
      %mul3A_334 = arith.constant 2.500000e+00 : f32
      %mul3A_335 = vector.broadcast %mul3A_334 : f32 to vector<16xf32>
      %mul3A_336 = arith.mulf %div3A_333, %mul3A_335 : vector<16xf32>
      %mul3A_337 = arith.constant 0 : i32
      %mul3A_338 = vector.broadcast %mul3A_337 : i32 to vector<16xi32>
      %mul3A_339 = arith.muli %iota3A, %mul3A_338 : vector<16xi32>
      %mul3A_340 = arith.constant 8 : i32
      %mul3A_341 = arith.muli %mul3A_103, %mul3A_340 : i32
      %add3A_342 = vector.broadcast %mul3A_341 : i32 to vector<16xi32>
      %add3A_343 = arith.addi %mul3A_339, %add3A_342 : vector<16xi32>
      %add3A_344 = arith.addi %add3A_343, %iota3A : vector<16xi32>
      tpu.vector_store_idx %arg12[%add3A_344], %and3A_310 masked %lt3A_20 : memref<4096xi32, #tpu.memory_space<vmem>>[vector<16xi32>], vector<16xi32>, vector<16xi1>
      %add3A_345 = arith.addi %add3A_343, %iota3A : vector<16xi32>
      tpu.vector_store_idx %arg13[%add3A_345], %mul3A_336 masked %lt3A_20 : memref<4096xf32, #tpu.memory_space<vmem>>[vector<16xi32>], vector<16xf32>, vector<16xi1>
      %mul3A_346 = arith.constant 2 : i32
      %mul3A_347 = arith.muli %mul3A_346, %scan3A_101 : i32
      %add3A_348 = arith.constant 1 : i32
      %add3A_349 = arith.addi %mul3A_347, %add3A_348 : i32
      %mul3A_350 = arith.constant 0 : i32
      %mul3A_351 = vector.broadcast %mul3A_350 : i32 to vector<16xi32>
      %mul3A_352 = arith.muli %iota3A, %mul3A_351 : vector<16xi32>
      %mul3A_353 = arith.constant 64 : i32
      %mul3A_354 = arith.muli %add3A_349, %mul3A_353 : i32
      %add3A_355 = vector.broadcast %mul3A_354 : i32 to vector<16xi32>
      %add3A_356 = arith.addi %mul3A_352, %add3A_355 : vector<16xi32>
      %add3A_357 = arith.constant 0 : i32
      %add3A_358 = vector.broadcast %add3A_357 : i32 to vector<16xi32>
      %add3A_359 = arith.addi %iota3A, %add3A_358 : vector<16xi32>
      %add3A_360 = arith.addi %add3A_356, %add3A_359 : vector<16xi32>
      %gather3A_361 = tpu.vector_load_idx %arg6[%add3A_360] : memref<32768xf32, #tpu.memory_space<vmem>>[vector<16xi32>], vector<16xf32>,
      %add3A_362 = arith.addf %gather3A_361, %get3A_21 : vector<16xf32>
      %swap3A_363 = arith.constant 64 : index
      %swap3A_364 = tpu.vector_load %arg8[%swap3A_363] {strides = array<i32>} : memref<128xf32, #tpu.memory_space<vmem>>, vector<16xf32>,
      tpu.vector_store %arg8[%swap3A_363], %add3A_362 {strides = array<i32>} : memref<128xf32, #tpu.memory_space<vmem>>, vector<16xf32>,
      %bitcast3A_365 = vector.bitcast %add3A_362 : vector<16xf32> to vector<16xi32>
      %lt3A_366 = arith.constant 0 : i32
      %lt3A_367 = vector.broadcast %lt3A_366 : i32 to vector<16xi32>
      %lt3A_368 = arith.cmpi slt, %bitcast3A_365, %lt3A_367 : vector<16xi32>
      %sub3A_369 = arith.constant -2147483648 : i32
      %sub3A_370 = vector.broadcast %sub3A_369 : i32 to vector<16xi32>
      %sub3A_371 = arith.subi %sub3A_370, %bitcast3A_365 : vector<16xi32>
      %select_n3A_372 = arith.select %lt3A_368, %sub3A_371, %bitcast3A_365 : vector<16xi1>, vector<16xi32>
      %shift_right_arithmetic3A_373 = arith.constant 3 : i32
      %shift_right_arithmetic3A_374 = vector.broadcast %shift_right_arithmetic3A_373 : i32 to vector<16xi32>
      %shift_right_arithmetic3A_375 = arith.shrsi %select_n3A_372, %shift_right_arithmetic3A_374 : vector<16xi32>
      %add3A_376 = arith.addi %shift_right_arithmetic3A_375, %select_n3A_33 : vector<16xi32>
      %masked_sort3A_377 = arith.constant dense<true> : vector<16xi1>
      %masked_sort3A_378 = arith.constant -2147483648 : i32
      %masked_sort3A_379 = vector.broadcast %masked_sort3A_378 : i32 to vector<16xi32>
      %masked_sort3A_380 = arith.xori %add3A_376, %masked_sort3A_379 : vector<16xi32>
      %masked_sort3A_381, %masked_sort3A_382, %masked_sort3A_383 = tpu.sort %masked_sort3A_380, %add3A_362 masked %masked_sort3A_377 : (vector<16xi32>, vector<16xf32>, vector<16xi1>) -> (vector<16xi1>, vector<16xi32>, vector<16xf32>)
      %masked_sort3A_384 = arith.xori %masked_sort3A_382, %masked_sort3A_379 : vector<16xi32>
      %swap3A_385 = arith.constant 64 : index
      %swap3A_386 = tpu.vector_load %arg9[%swap3A_385] {strides = array<i32>} : memref<128xf32, #tpu.memory_space<vmem>>, vector<16xf32>,
      tpu.vector_store %arg9[%swap3A_385], %masked_sort3A_383 {strides = array<i32>} : memref<128xf32, #tpu.memory_space<vmem>>, vector<16xf32>,
      %add3A_387 = arith.constant 16 : i32
      %add3A_388 = vector.broadcast %add3A_387 : i32 to vector<16xi32>
      %add3A_389 = arith.addi %iota3A, %add3A_388 : vector<16xi32>
      %add3A_390 = arith.addi %add3A_356, %add3A_389 : vector<16xi32>
      %gather3A_391 = tpu.vector_load_idx %arg6[%add3A_390] : memref<32768xf32, #tpu.memory_space<vmem>>[vector<16xi32>], vector<16xf32>,
      %add3A_392 = arith.addf %gather3A_391, %get3A_23 : vector<16xf32>
      %swap3A_393 = arith.constant 80 : index
      %swap3A_394 = tpu.vector_load %arg8[%swap3A_393] {strides = array<i32>} : memref<128xf32, #tpu.memory_space<vmem>>, vector<16xf32>,
      tpu.vector_store %arg8[%swap3A_393], %add3A_392 {strides = array<i32>} : memref<128xf32, #tpu.memory_space<vmem>>, vector<16xf32>,
      %bitcast3A_395 = vector.bitcast %add3A_392 : vector<16xf32> to vector<16xi32>
      %lt3A_396 = arith.constant 0 : i32
      %lt3A_397 = vector.broadcast %lt3A_396 : i32 to vector<16xi32>
      %lt3A_398 = arith.cmpi slt, %bitcast3A_395, %lt3A_397 : vector<16xi32>
      %sub3A_399 = arith.constant -2147483648 : i32
      %sub3A_400 = vector.broadcast %sub3A_399 : i32 to vector<16xi32>
      %sub3A_401 = arith.subi %sub3A_400, %bitcast3A_395 : vector<16xi32>
      %select_n3A_402 = arith.select %lt3A_398, %sub3A_401, %bitcast3A_395 : vector<16xi1>, vector<16xi32>
      %shift_right_arithmetic3A_403 = arith.constant 3 : i32
      %shift_right_arithmetic3A_404 = vector.broadcast %shift_right_arithmetic3A_403 : i32 to vector<16xi32>
      %shift_right_arithmetic3A_405 = arith.shrsi %select_n3A_402, %shift_right_arithmetic3A_404 : vector<16xi32>
      %add3A_406 = arith.addi %shift_right_arithmetic3A_405, %select_n3A_33 : vector<16xi32>
      %masked_sort3A_407 = arith.constant dense<true> : vector<16xi1>
      %masked_sort3A_408 = arith.constant -2147483648 : i32
      %masked_sort3A_409 = vector.broadcast %masked_sort3A_408 : i32 to vector<16xi32>
      %masked_sort3A_410 = arith.xori %add3A_406, %masked_sort3A_409 : vector<16xi32>
      %masked_sort3A_411, %masked_sort3A_412, %masked_sort3A_413 = tpu.sort %masked_sort3A_410, %add3A_392 masked %masked_sort3A_407 : (vector<16xi32>, vector<16xf32>, vector<16xi1>) -> (vector<16xi1>, vector<16xi32>, vector<16xf32>)
      %masked_sort3A_414 = arith.xori %masked_sort3A_412, %masked_sort3A_409 : vector<16xi32>
      %swap3A_415 = arith.constant 80 : index
      %swap3A_416 = tpu.vector_load %arg9[%swap3A_415] {strides = array<i32>} : memref<128xf32, #tpu.memory_space<vmem>>, vector<16xf32>,
      tpu.vector_store %arg9[%swap3A_415], %masked_sort3A_413 {strides = array<i32>} : memref<128xf32, #tpu.memory_space<vmem>>, vector<16xf32>,
      %add3A_417 = arith.constant 32 : i32
      %add3A_418 = vector.broadcast %add3A_417 : i32 to vector<16xi32>
      %add3A_419 = arith.addi %iota3A, %add3A_418 : vector<16xi32>
      %add3A_420 = arith.addi %add3A_356, %add3A_419 : vector<16xi32>
      %gather3A_421 = tpu.vector_load_idx %arg6[%add3A_420] : memref<32768xf32, #tpu.memory_space<vmem>>[vector<16xi32>], vector<16xf32>,
      %add3A_422 = arith.addf %gather3A_421, %get3A_25 : vector<16xf32>
      %swap3A_423 = arith.constant 96 : index
      %swap3A_424 = tpu.vector_load %arg8[%swap3A_423] {strides = array<i32>} : memref<128xf32, #tpu.memory_space<vmem>>, vector<16xf32>,
      tpu.vector_store %arg8[%swap3A_423], %add3A_422 {strides = array<i32>} : memref<128xf32, #tpu.memory_space<vmem>>, vector<16xf32>,
      %bitcast3A_425 = vector.bitcast %add3A_422 : vector<16xf32> to vector<16xi32>
      %lt3A_426 = arith.constant 0 : i32
      %lt3A_427 = vector.broadcast %lt3A_426 : i32 to vector<16xi32>
      %lt3A_428 = arith.cmpi slt, %bitcast3A_425, %lt3A_427 : vector<16xi32>
      %sub3A_429 = arith.constant -2147483648 : i32
      %sub3A_430 = vector.broadcast %sub3A_429 : i32 to vector<16xi32>
      %sub3A_431 = arith.subi %sub3A_430, %bitcast3A_425 : vector<16xi32>
      %select_n3A_432 = arith.select %lt3A_428, %sub3A_431, %bitcast3A_425 : vector<16xi1>, vector<16xi32>
      %shift_right_arithmetic3A_433 = arith.constant 3 : i32
      %shift_right_arithmetic3A_434 = vector.broadcast %shift_right_arithmetic3A_433 : i32 to vector<16xi32>
      %shift_right_arithmetic3A_435 = arith.shrsi %select_n3A_432, %shift_right_arithmetic3A_434 : vector<16xi32>
      %add3A_436 = arith.addi %shift_right_arithmetic3A_435, %select_n3A_33 : vector<16xi32>
      %masked_sort3A_437 = arith.constant dense<true> : vector<16xi1>
      %masked_sort3A_438 = arith.constant -2147483648 : i32
      %masked_sort3A_439 = vector.broadcast %masked_sort3A_438 : i32 to vector<16xi32>
      %masked_sort3A_440 = arith.xori %add3A_436, %masked_sort3A_439 : vector<16xi32>
      %masked_sort3A_441, %masked_sort3A_442, %masked_sort3A_443 = tpu.sort %masked_sort3A_440, %add3A_422 masked %masked_sort3A_437 : (vector<16xi32>, vector<16xf32>, vector<16xi1>) -> (vector<16xi1>, vector<16xi32>, vector<16xf32>)
      %masked_sort3A_444 = arith.xori %masked_sort3A_442, %masked_sort3A_439 : vector<16xi32>
      %swap3A_445 = arith.constant 96 : index
      %swap3A_446 = tpu.vector_load %arg9[%swap3A_445] {strides = array<i32>} : memref<128xf32, #tpu.memory_space<vmem>>, vector<16xf32>,
      tpu.vector_store %arg9[%swap3A_445], %masked_sort3A_443 {strides = array<i32>} : memref<128xf32, #tpu.memory_space<vmem>>, vector<16xf32>,
      %add3A_447 = arith.constant 48 : i32
      %add3A_448 = vector.broadcast %add3A_447 : i32 to vector<16xi32>
      %add3A_449 = arith.addi %iota3A, %add3A_448 : vector<16xi32>
      %add3A_450 = arith.addi %add3A_356, %add3A_449 : vector<16xi32>
      %gather3A_451 = tpu.vector_load_idx %arg6[%add3A_450] : memref<32768xf32, #tpu.memory_space<vmem>>[vector<16xi32>], vector<16xf32>,
      %add3A_452 = arith.addf %gather3A_451, %get3A_27 : vector<16xf32>
      %swap3A_453 = arith.constant 112 : index
      %swap3A_454 = tpu.vector_load %arg8[%swap3A_453] {strides = array<i32>} : memref<128xf32, #tpu.memory_space<vmem>>, vector<16xf32>,
      tpu.vector_store %arg8[%swap3A_453], %add3A_452 {strides = array<i32>} : memref<128xf32, #tpu.memory_space<vmem>>, vector<16xf32>,
      %bitcast3A_455 = vector.bitcast %add3A_452 : vector<16xf32> to vector<16xi32>
      %lt3A_456 = arith.constant 0 : i32
      %lt3A_457 = vector.broadcast %lt3A_456 : i32 to vector<16xi32>
      %lt3A_458 = arith.cmpi slt, %bitcast3A_455, %lt3A_457 : vector<16xi32>
      %sub3A_459 = arith.constant -2147483648 : i32
      %sub3A_460 = vector.broadcast %sub3A_459 : i32 to vector<16xi32>
      %sub3A_461 = arith.subi %sub3A_460, %bitcast3A_455 : vector<16xi32>
      %select_n3A_462 = arith.select %lt3A_458, %sub3A_461, %bitcast3A_455 : vector<16xi1>, vector<16xi32>
      %shift_right_arithmetic3A_463 = arith.constant 3 : i32
      %shift_right_arithmetic3A_464 = vector.broadcast %shift_right_arithmetic3A_463 : i32 to vector<16xi32>
      %shift_right_arithmetic3A_465 = arith.shrsi %select_n3A_462, %shift_right_arithmetic3A_464 : vector<16xi32>
      %add3A_466 = arith.addi %shift_right_arithmetic3A_465, %select_n3A_33 : vector<16xi32>
      %masked_sort3A_467 = arith.constant dense<true> : vector<16xi1>
      %masked_sort3A_468 = arith.constant -2147483648 : i32
      %masked_sort3A_469 = vector.broadcast %masked_sort3A_468 : i32 to vector<16xi32>
      %masked_sort3A_470 = arith.xori %add3A_466, %masked_sort3A_469 : vector<16xi32>
      %masked_sort3A_471, %masked_sort3A_472, %masked_sort3A_473 = tpu.sort %masked_sort3A_470, %add3A_452 masked %masked_sort3A_467 : (vector<16xi32>, vector<16xf32>, vector<16xi1>) -> (vector<16xi1>, vector<16xi32>, vector<16xf32>)
      %masked_sort3A_474 = arith.xori %masked_sort3A_472, %masked_sort3A_469 : vector<16xi32>
      %swap3A_475 = arith.constant 112 : index
      %swap3A_476 = tpu.vector_load %arg9[%swap3A_475] {strides = array<i32>} : memref<128xf32, #tpu.memory_space<vmem>>, vector<16xf32>,
      tpu.vector_store %arg9[%swap3A_475], %masked_sort3A_473 {strides = array<i32>} : memref<128xf32, #tpu.memory_space<vmem>>, vector<16xf32>,
      %add3A_477 = arith.constant 64 : i32
      %add3A_478 = vector.broadcast %add3A_477 : i32 to vector<16xi32>
      %add3A_479 = arith.addi %add3A_478, %add3A_91 : vector<16xi32>
      %gather3A_480 = tpu.vector_load_idx %arg9[%add3A_479] : memref<128xf32, #tpu.memory_space<vmem>>[vector<16xi32>], vector<16xf32>,
      %add3A_481 = arith.constant 64 : i32
      %add3A_482 = vector.broadcast %add3A_481 : i32 to vector<16xi32>
      %add3A_483 = arith.addi %add3A_482, %add3A_91 : vector<16xi32>
      %add3A_484 = arith.constant 1 : i32
      %add3A_485 = vector.broadcast %add3A_484 : i32 to vector<16xi32>
      %add3A_486 = arith.addi %add3A_483, %add3A_485 : vector<16xi32>
      %gather3A_487 = tpu.vector_load_idx %arg9[%add3A_486] : memref<128xf32, #tpu.memory_space<vmem>>[vector<16xi32>], vector<16xf32>,
      %add3A_488 = arith.addf %gather3A_480, %gather3A_487 : vector<16xf32>
      %bitcast3A_489 = vector.bitcast %add3A_488 : vector<16xf32> to vector<16xi32>
      %lt3A_490 = arith.constant 0 : i32
      %lt3A_491 = vector.broadcast %lt3A_490 : i32 to vector<16xi32>
      %lt3A_492 = arith.cmpi slt, %bitcast3A_489, %lt3A_491 : vector<16xi32>
      %sub3A_493 = arith.constant -2147483648 : i32
      %sub3A_494 = vector.broadcast %sub3A_493 : i32 to vector<16xi32>
      %sub3A_495 = arith.subi %sub3A_494, %bitcast3A_489 : vector<16xi32>
      %select_n3A_496 = arith.select %lt3A_492, %sub3A_495, %bitcast3A_489 : vector<16xi1>, vector<16xi32>
      %and3A_497 = arith.constant -8 : i32
      %and3A_498 = vector.broadcast %and3A_497 : i32 to vector<16xi32>
      %and3A_499 = arith.andi %select_n3A_496, %and3A_498 : vector<16xi32>
      %or3A_500 = arith.ori %and3A_499, %and3A_6 : vector<16xi32>
      %jit3A_501 = arith.constant 2147483647 : i32
      %broadcast_in_dim3A_502 = vector.broadcast %jit3A_501 : i32 to vector<16xi32>
      %select_n3A_503 = arith.select %lt3A_20, %or3A_500, %broadcast_in_dim3A_502 : vector<16xi1>, vector<16xi32>
      %masked_sort3A_504 = arith.constant dense<true> : vector<16xi1>
      %masked_sort3A_505 = arith.constant -2147483648 : i32
      %masked_sort3A_506 = vector.broadcast %masked_sort3A_505 : i32 to vector<16xi32>
      %masked_sort3A_507 = arith.xori %select_n3A_503, %masked_sort3A_506 : vector<16xi32>
      %masked_sort3A_508, %masked_sort3A_509, %masked_sort3A_510 = tpu.sort %masked_sort3A_507, %select_n3A_503 masked %masked_sort3A_504 : (vector<16xi32>, vector<16xi32>, vector<16xi1>) -> (vector<16xi1>, vector<16xi32>, vector<16xi32>)
      %masked_sort3A_511 = arith.xori %masked_sort3A_509, %masked_sort3A_506 : vector<16xi32>
      %and3A_512 = arith.constant 7 : i32
      %and3A_513 = vector.broadcast %and3A_512 : i32 to vector<16xi32>
      %and3A_514 = arith.andi %masked_sort3A_511, %and3A_513 : vector<16xi32>
      %add3A_515 = arith.constant 8 : i32
      %add3A_516 = vector.broadcast %add3A_515 : i32 to vector<16xi32>
      %add3A_517 = arith.addi %add3A_516, %and3A_514 : vector<16xi32>
      %lt3A_518 = arith.constant 4 : i32
      %lt3A_519 = vector.broadcast %lt3A_518 : i32 to vector<16xi32>
      %lt3A_520 = arith.cmpi slt, %iota3A, %lt3A_519 : vector<16xi32>
      %jit3A_521 = arith.constant 1.000000e+00 : f32
      %jit3A_522 = arith.constant 0.000000e+00 : f32
      %broadcast_in_dim3A_523 = vector.broadcast %jit3A_521 : f32 to vector<16xf32>
      %broadcast_in_dim3A_524 = vector.broadcast %jit3A_522 : f32 to vector<16xf32>
      %select_n3A_525 = arith.select %lt3A_520, %broadcast_in_dim3A_523, %broadcast_in_dim3A_524 : vector<16xi1>, vector<16xf32>
      tpu.vector_store_idx %arg10[%add3A_517], %select_n3A_525 masked %lt3A_20 : memref<16xf32, #tpu.memory_space<vmem>>[vector<16xi32>], vector<16xf32>, vector<16xi1>
      %add3A_526 = arith.constant 64 : i32
      %add3A_527 = vector.broadcast %add3A_526 : i32 to vector<16xi32>
      %add3A_528 = arith.addi %add3A_527, %mul3A_9 : vector<16xi32>
      %gather3A_529 = tpu.vector_load_idx %arg8[%add3A_528] : memref<128xf32, #tpu.memory_space<vmem>>[vector<16xi32>], vector<16xf32>,
      %add3A_530 = arith.constant 8 : i32
      %add3A_531 = vector.broadcast %add3A_530 : i32 to vector<16xi32>
      %add3A_532 = arith.addi %add3A_531, %and3A_6 : vector<16xi32>
      %gather3A_533 = tpu.vector_load_idx %arg10[%add3A_532] : memref<16xf32, #tpu.memory_space<vmem>>[vector<16xi32>], vector<16xf32>,
      %gt3A_534 = arith.constant 5.000000e-01 : f32
      %gt3A_535 = vector.broadcast %gt3A_534 : f32 to vector<16xf32>
      %gt3A_536 = arith.cmpf ogt, %gather3A_533, %gt3A_535 : vector<16xf32>
      %and3A_537 = arith.andi %lt3A_20, %gt3A_536 : vector<16xi1>
      %jit3A_538 = arith.constant 0.000000e+00 : f32
      %broadcast_in_dim3A_539 = vector.broadcast %jit3A_538 : f32 to vector<16xf32>
      %select_n3A_540 = arith.select %and3A_537, %gather3A_529, %broadcast_in_dim3A_539 : vector<16xi1>, vector<16xf32>
      %bitcast3A_541 = vector.bitcast %select_n3A_540 : vector<16xf32> to vector<16xi32>
      %lt3A_542 = arith.constant 0 : i32
      %lt3A_543 = vector.broadcast %lt3A_542 : i32 to vector<16xi32>
      %lt3A_544 = arith.cmpi slt, %bitcast3A_541, %lt3A_543 : vector<16xi32>
      %sub3A_545 = arith.constant -2147483648 : i32
      %sub3A_546 = vector.broadcast %sub3A_545 : i32 to vector<16xi32>
      %sub3A_547 = arith.subi %sub3A_546, %bitcast3A_541 : vector<16xi32>
      %select_n3A_548 = arith.select %lt3A_544, %sub3A_547, %bitcast3A_541 : vector<16xi1>, vector<16xi32>
      %and3A_549 = arith.constant -64 : i32
      %and3A_550 = vector.broadcast %and3A_549 : i32 to vector<16xi32>
      %and3A_551 = arith.andi %select_n3A_548, %and3A_550 : vector<16xi32>
      %or3A_552 = arith.ori %and3A_551, %select_n3A_17 : vector<16xi32>
      %masked_sort3A_553 = arith.constant dense<true> : vector<16xi1>
      %masked_sort3A_554 = arith.constant -2147483648 : i32
      %masked_sort3A_555 = vector.broadcast %masked_sort3A_554 : i32 to vector<16xi32>
      %masked_sort3A_556 = arith.xori %or3A_552, %masked_sort3A_555 : vector<16xi32>
      %masked_sort3A_557, %masked_sort3A_558, %masked_sort3A_559 = tpu.sort %masked_sort3A_556, %or3A_552 masked %masked_sort3A_553 : (vector<16xi32>, vector<16xi32>, vector<16xi1>) -> (vector<16xi1>, vector<16xi32>, vector<16xi32>)
      %masked_sort3A_560 = arith.xori %masked_sort3A_558, %masked_sort3A_555 : vector<16xi32>
      %and3A_561 = arith.constant 63 : i32
      %and3A_562 = vector.broadcast %and3A_561 : i32 to vector<16xi32>
      %and3A_563 = arith.andi %masked_sort3A_560, %and3A_562 : vector<16xi32>
      %add3A_564 = arith.addi %add3A_356, %and3A_563 : vector<16xi32>
      %gather3A_565 = tpu.vector_load_idx %arg6[%add3A_564] : memref<32768xf32, #tpu.memory_space<vmem>>[vector<16xi32>], vector<16xf32>,
      %jit3A_566 = arith.constant 0.000000e+00 : f32
      %broadcast_in_dim3A_567 = vector.broadcast %jit3A_566 : f32 to vector<16xf32>
      %select_n3A_568 = arith.select %lt3A_20, %gather3A_565, %broadcast_in_dim3A_567 : vector<16xi1>, vector<16xf32>
      %broadcast_in_dim3A_569 = arith.constant true
      %broadcast_in_dim3A_570 = vector.broadcast %broadcast_in_dim3A_569 : i1 to vector<16xi1>
      %masked_cumsum3A_571 = tpu.scan <sum>, %select_n3A_568 masked %broadcast_in_dim3A_570 : vector<16xf32>, vector<16xi1> -> vector<16xf32>
      %swap3A_572 = arith.constant 16 : index
      %swap3A_573 = tpu.vector_load %arg11[%swap3A_572] {strides = array<i32>} : memref<32xf32, #tpu.memory_space<vmem>>, vector<16xf32>,
      tpu.vector_store %arg11[%swap3A_572], %masked_cumsum3A_571 {strides = array<i32>} : memref<32xf32, #tpu.memory_space<vmem>>, vector<16xf32>,
      %mul3A_574 = arith.constant 0 : i32
      %mul3A_575 = vector.broadcast %mul3A_574 : i32 to vector<16xi32>
      %mul3A_576 = arith.muli %iota3A, %mul3A_575 : vector<16xi32>
      %add3A_577 = arith.constant 16 : i32
      %add3A_578 = vector.broadcast %add3A_577 : i32 to vector<16xi32>
      %add3A_579 = arith.addi %mul3A_576, %add3A_578 : vector<16xi32>
      %add3A_580 = arith.constant 15 : i32
      %add3A_581 = vector.broadcast %add3A_580 : i32 to vector<16xi32>
      %add3A_582 = arith.addi %add3A_579, %add3A_581 : vector<16xi32>
      %gather3A_583 = tpu.vector_load_idx %arg11[%add3A_582] : memref<32xf32, #tpu.memory_space<vmem>>[vector<16xi32>], vector<16xf32>,
      %add3A_584 = arith.constant 9.99999968E-21 : f32
      %add3A_585 = vector.broadcast %add3A_584 : f32 to vector<16xf32>
      %add3A_586 = arith.addf %gather3A_583, %add3A_585 : vector<16xf32>
      %div3A_587 = arith.divf %select_n3A_568, %add3A_586 : vector<16xf32>
      %mul3A_588 = arith.constant 2.500000e+00 : f32
      %mul3A_589 = vector.broadcast %mul3A_588 : f32 to vector<16xf32>
      %mul3A_590 = arith.mulf %div3A_587, %mul3A_589 : vector<16xf32>
      %mul3A_591 = arith.constant 0 : i32
      %mul3A_592 = vector.broadcast %mul3A_591 : i32 to vector<16xi32>
      %mul3A_593 = arith.muli %iota3A, %mul3A_592 : vector<16xi32>
      %mul3A_594 = arith.constant 8 : i32
      %mul3A_595 = arith.muli %add3A_349, %mul3A_594 : i32
      %add3A_596 = vector.broadcast %mul3A_595 : i32 to vector<16xi32>
      %add3A_597 = arith.addi %mul3A_593, %add3A_596 : vector<16xi32>
      %add3A_598 = arith.addi %add3A_597, %iota3A : vector<16xi32>
      tpu.vector_store_idx %arg12[%add3A_598], %and3A_563 masked %lt3A_20 : memref<4096xi32, #tpu.memory_space<vmem>>[vector<16xi32>], vector<16xi32>, vector<16xi1>
      %add3A_599 = arith.addi %add3A_597, %iota3A : vector<16xi32>
      tpu.vector_store_idx %arg13[%add3A_599], %mul3A_590 masked %lt3A_20 : memref<4096xf32, #tpu.memory_space<vmem>>[vector<16xi32>], vector<16xf32>, vector<16xi1>
    }
    %scan3A_96 = arith.constant 256 : i32
    %mul3A_97 = arith.constant 8 : i32
    %mul3A_98 = arith.muli %mul3A_2, %mul3A_97 : i32
    "tpu.region"() ({
      %run_scoped3A = tpu.sem_alloc : memref<!tpu.dma_semaphore, #tpu.memory_space<semaphore_mem>>
      %dma_start3A = tpu.memref_slice %arg4[%mul3A_98] : memref<131072xi32, #tpu.memory_space<hbm>> -> memref<4096xi32, #tpu.memory_space<hbm>>
      %dma_start3A_101 = tpu.memref_slice %arg4[%mul3A_98] : memref<131072xi32, #tpu.memory_space<hbm>> -> memref<4096xi32, #tpu.memory_space<hbm>>
      tpu.enqueue_dma source(%arg12 : memref<4096xi32, #tpu.memory_space<vmem>>) target(%dma_start3A_101 : memref<4096xi32, #tpu.memory_space<hbm>>) target_semaphore(%run_scoped3A : memref<!tpu.dma_semaphore, #tpu.memory_space<semaphore_mem>>)
      %dma_wait3A = tpu.memref_slice %arg4[%mul3A_98] : memref<131072xi32, #tpu.memory_space<hbm>> -> memref<4096xi32, #tpu.memory_space<hbm>>
      %dma_wait3A_102 = tpu.memref_slice %arg4[%mul3A_98] : memref<131072xi32, #tpu.memory_space<hbm>> -> memref<4096xi32, #tpu.memory_space<hbm>>
      tpu.wait_dma2 semaphore(%run_scoped3A : memref<!tpu.dma_semaphore, #tpu.memory_space<semaphore_mem>>) src(%arg12 : memref<4096xi32, #tpu.memory_space<vmem>>) dst(%dma_wait3A_102 : memref<4096xi32, #tpu.memory_space<hbm>>)
      tpu.yield
    }) : () -> ()
    %mul3A_99 = arith.constant 8 : i32
    %mul3A_100 = arith.muli %mul3A_2, %mul3A_99 : i32
    "tpu.region"() ({
      %run_scoped3A = tpu.sem_alloc : memref<!tpu.dma_semaphore, #tpu.memory_space<semaphore_mem>>
      %dma_start3A = tpu.memref_slice %arg5[%mul3A_100] : memref<131072xf32, #tpu.memory_space<hbm>> -> memref<4096xf32, #tpu.memory_space<hbm>>
      %dma_start3A_101 = tpu.memref_slice %arg5[%mul3A_100] : memref<131072xf32, #tpu.memory_space<hbm>> -> memref<4096xf32, #tpu.memory_space<hbm>>
      tpu.enqueue_dma source(%arg13 : memref<4096xf32, #tpu.memory_space<vmem>>) target(%dma_start3A_101 : memref<4096xf32, #tpu.memory_space<hbm>>) target_semaphore(%run_scoped3A : memref<!tpu.dma_semaphore, #tpu.memory_space<semaphore_mem>>)
      %dma_wait3A = tpu.memref_slice %arg5[%mul3A_100] : memref<131072xf32, #tpu.memory_space<hbm>> -> memref<4096xf32, #tpu.memory_space<hbm>>
      %dma_wait3A_102 = tpu.memref_slice %arg5[%mul3A_100] : memref<131072xf32, #tpu.memory_space<hbm>> -> memref<4096xf32, #tpu.memory_space<hbm>>
      tpu.wait_dma2 semaphore(%run_scoped3A : memref<!tpu.dma_semaphore, #tpu.memory_space<semaphore_mem>>) src(%arg13 : memref<4096xf32, #tpu.memory_space<vmem>>) dst(%dma_wait3A_102 : memref<4096xf32, #tpu.memory_space<hbm>>)
      tpu.yield
    }) : () -> ()
    return
  }
}

module attributes {stable_mosaic.version = 14 : i64} {
  func.func @_gates_body(%arg0: i32, %arg1: memref<1024x4096xf32, #tpu.memory_space<vmem>>, %arg2: memref<64x4096xf32, #tpu.memory_space<vmem>>, %arg3: memref<1024x64xf32, #tpu.memory_space<vmem>>) attributes {dimension_semantics = [#tpu.dimension_semantics<parallel>], iteration_bounds = array<i64: 16>, scalar_prefetch = 0 : i64, scratch_operands = 0 : i64, tpu.core_type = #tpu.core_type<tc>, window_params = [{transform_indices = @transform_0, window_bounds = array<i64: 1024, 4096>}, {pipeline_mode = #tpu.pipeline_mode<synchronous>, transform_indices = @transform_1, window_bounds = array<i64: 64, 4096>}, {transform_indices = @transform_2, window_bounds = array<i64: 1024, 64>}]} {
    %get3A = arith.constant 0 : index
    %get3A_0 = arith.constant 0 : index
    %get3A_1 = vector.load %arg1[%get3A, %get3A_0] : memref<1024x4096xf32, #tpu.memory_space<vmem>>, vector<1024x4096xf32>
    %get3A_2 = arith.constant 0 : index
    %get3A_3 = arith.constant 0 : index
    %get3A_4 = vector.load %arg2[%get3A_2, %get3A_3] : memref<64x4096xf32, #tpu.memory_space<vmem>>, vector<64x4096xf32>
    %dot_general3A = arith.constant dense<0.000000e+00> : vector<1024x64xf32>
    %dot_general3A_5 = tpu.matmul %get3A_1, %get3A_4, %dot_general3A {dimension_numbers = #tpu.dot_dimension_numbers<[1], [1], [0], [0], [0, 0, 1, 0], [], []>, transpose_lhs_hint = false} : vector<1024x4096xf32>, vector<64x4096xf32>, vector<1024x64xf32> -> vector<1024x64xf32>
    %logistic3A = arith.negf %dot_general3A_5 : vector<1024x64xf32>
    %logistic3A_6 = math.exp %logistic3A : vector<1024x64xf32>
    %logistic3A_7 = arith.constant 1.000000e+00 : f32
    %logistic3A_8 = vector.broadcast %logistic3A_7 : f32 to vector<1024x64xf32>
    %logistic3A_9 = arith.addf %logistic3A_8, %logistic3A_6 : vector<1024x64xf32>
    %logistic3A_10 = arith.divf %logistic3A_8, %logistic3A_9 : vector<1024x64xf32>
    %swap3A = arith.constant 0 : index
    %swap3A_11 = arith.constant 0 : index
    %swap3A_12 = vector.load %arg3[%swap3A, %swap3A_11] : memref<1024x64xf32, #tpu.memory_space<vmem>>, vector<1024x64xf32>
    tpu.vector_store %arg3[%swap3A, %swap3A_11], %logistic3A_10 {strides = array<i32>} : memref<1024x64xf32, #tpu.memory_space<vmem>>, vector<1024x64xf32>,
    return
  }
  func.func @transform_0(%arg0: i32) -> (i32, i32) {
    %c0_i32 = arith.constant 0 : i32
    %c0_i32_0 = arith.constant 0 : i32
    return %arg0, %c0_i32 : i32, i32
  }
  func.func @transform_1(%arg0: i32) -> (i32, i32) {
    %c0_i32 = arith.constant 0 : i32
    %c0_i32_0 = arith.constant 0 : i32
    %c0_i32_1 = arith.constant 0 : i32
    return %c0_i32, %c0_i32_0 : i32, i32
  }
  func.func @transform_2(%arg0: i32) -> (i32, i32) {
    %c0_i32 = arith.constant 0 : i32
    %c0_i32_0 = arith.constant 0 : i32
    return %arg0, %c0_i32 : i32, i32
  }
}

</mosaic_0001>

<sc_bundles>
// kernel: kernel.4.cloned.1.call-start
scs
__scs_entry_jumppad:
0x0: {  	(pc) =	sbr.rel $0x88, $3  }
0x1: {  	(tag) =	ssettag $0x0;
	lr =	simm.s32 $0x1  }
0x2: {  	[smem:$0x3F9E] =	sst lr;
	_ =	strace $0xD0000000  }
0x3: {  	_ = 	snop  }
0x4: {  	_ = 	snop  }
0x5: {  	_ = 	snop  }
0x6: {  	_ = 	snop  }
0x7: {  	_ = 	snop  }
__scs_overlays_trampoline_lowered:
0x8: {  	[smem:$0x3FAD] =	sst s0  }
0x9: {  	[smem:$0x3FAE] =	sst s1  }
0xa: {  	[smem:$0x3FAF] =	sst s2  }
0xb: {  	[smem:$0x3FB0] =	sst s3  }
0xc: {  	[smem:$0x3FB1] =	sst s4  }
0xd: {  	[smem:$0x3FB2] =	sst s5  }
0xe: {  	[smem:$0x3FB3] =	sst s6  }
0xf: {  	[smem:$0x3FB4] =	sst s7  }
0x10: {  	[smem:$0x3FB5] =	sst s8  }
0x11: {  	[smem:$0x3FB6] =	sst s9;
	s0 =	simm.s32 @!p0 $0x0  }
0x12: {  	s1 =	sld [smem:$0x3F9C];
	s0 =	simm.s32 @p0 $0x1  }
0x13: {  	[smem:$0x3FB7] =	sst s0;
	s0 =	simm.s32 @!p1 $0x0  }
0x14: {  	s2 =	sld [smem:$0x3F9B];
	s0 =	simm.s32 @p1 $0x1  }
0x15: {  	[smem:$0x3FB8] =	sst s0;
	s0 =	simm.s32 @!p2 $0x0  }
0x16: {  	s3 =	sld [smem:$0x3FDB];
	s0 =	simm.s32 @p2 $0x1  }
0x17: {  	s4 =	simm.s32 $0x1BF5;
	[smem:$0x3FBA] =	sst s0  }
0x18: {  	s0 =	sld [smem:$0x3F9D];
	_ =	swait.ge [sflag:s4], $0x0  }
0x19: {  	s7 =	sld [smem:$0x3F9E]  }
0x1a: {  	s8 =	sadd.s32 $0xFFFFE003, lr  }
0x1b: {  	s9 =	sadd.s32 $0xFFFFFEF7, lr;
	s5 =	simm.s32 $0xFFFFFFFF;
	p2 =	slt.u32 s8, $0xFFFFF086  }
0x1c: {  	p1 =	slt.u32 s9, $0xF7A;
	s5 =	simm.s32 @!p2 $0x0  }
0x1d: {  	s5 =	simm.s32 @p1 $0x1;
	p0 =	seq.s32 s7, s2  }
0x1e: {  	s7 =	smul.u32 @!p0 $0xF7A, s2;
	p2 =	seq.s32 @!p0 s5, $0x0  }
0x1f: {  	s9 =	smul.u32 $0xF7A, s1;
	s8 =	simm.s32 @!p0 $0x1BF5;
	p2 =	por !p2, p0  }
0x20: {  	[sflag:s8] =	ssyncset.s32 @!p0 $0xFFFFF086;
	s6 =	sadd.s32 @!p0 s3, s7;
	s7 =	simm.s32 @!p0 $0x108  }
0x21: {  	s3 =	sadd.s32 s3, s9;
	s6 =	sadd.s32 @!p0 $0x88, s6;
	s7 =	simm.s32 @p2 $0x1082  }
0x22: {  	[simem:s7], [sflag:s8] =	dma.local @!p0 [hbm:s6], $0xF7A  }
0x23: {  	s9 =	sor.u32 $0xD0000000, s2;
	s6 =	simm.s32 $0x108;
	_ =	swait.ge @!p0 [sflag:s8], $0x0  }
0x24: {  	s3 =	sadd.s32 $0x88, s3;
	s6 =	simm.s32 @!p1 $0x1082;
	[sflag:s4] =	ssyncset.s32 $0xFFFFF086  }
0x25: {  	[simem:s6], [sflag:s4] =	dma.local [hbm:s3], $0xF7A  }
0x26: {  	[smem:$0x3F9E] =	sst s1;
	(tag) =	ssettag s2;
	_ =	strace s9  }
0x27: {  	s1 =	sld [smem:$0x3FAE]  }
0x28: {  	s2 =	sld [smem:$0x3FAF]  }
0x29: {  	s4 =	sld [smem:$0x3FB1]  }
0x2a: {  	p0 =	seq.s32 s5, $0x0;
	s5 =	sld [smem:$0x3FB2]  }
0x2b: {  	s6 =	sld [smem:$0x3FB3]  }
0x2c: {  	s7 =	sld [smem:$0x3FB4]  }
0x2d: {  	s3 =	simm.s32 $0x108;
	s8 =	sld [smem:$0x3FB5]  }
0x2e: {  	s3 =	simm.s32 @!p0 $0x1082;
	s9 =	sld [smem:$0x3FB6]  }
0x2f: {  	lr =	sadd.s32 s0, s3;
	s0 =	sld [smem:$0x3FAD]  }
0x30: {  	s3 =	sld [smem:$0x3FB0]  }
0x31: {  	[smem:$0x3FB9] =	sst s10  }
0x32: {  	s10 =	sld [smem:$0x3FB7];
	_ =	sdelay $0x3  }
0x33: {  	p0 =	seq.s32 s10, $0x1;
	s10 =	sld [smem:$0x3FB9];
	_ =	sdelay $0x3  }
0x34: {  	[smem:$0x3FB9] =	sst s10  }
0x35: {  	s10 =	sld [smem:$0x3FB8];
	_ =	sdelay $0x3  }
0x36: {  	p1 =	seq.s32 s10, $0x1;
	s10 =	sld [smem:$0x3FB9];
	_ =	sdelay $0x3  }
0x37: {  	[smem:$0x3FB9] =	sst s10  }
0x38: {  	s10 =	sld [smem:$0x3FBA]  }
0x39: {  	_ = 	snop;
	(pc) =	sbr.ind lr, $3  }
0x3a: {  	_ = 	snop  }
0x3b: {  	_ = 	snop  }
0x3c: {  	p2 =	seq.s32 s10, $0x1;
	s10 =	sld [smem:$0x3FB9]  }
0x3d: {  	_ =	shalt  }
0x3e: {  	_ =	shalt  }
0x3f: {  	_ =	shalt  }
0x40: {  	_ =	shalt  }
0x41: {  	_ =	shalt  }
0x42: {  	_ =	shalt  }
0x43: {  	_ =	shalt  }
0x44: {  	_ =	shalt  }
0x45: {  	_ =	shalt  }
0x46: {  	_ =	shalt  }
0x47: {  	_ =	shalt  }
0x48: {  	_ =	shalt  }
0x49: {  	_ =	shalt  }
0x4a: {  	_ =	shalt  }
0x4b: {  	_ =	shalt  }
0x4c: {  	_ =	shalt  }
0x4d: {  	_ =	shalt  }
0x4e: {  	_ =	shalt  }
0x4f: {  	_ =	shalt  }
0x50: {  	_ =	shalt  }
0x51: {  	_ =	shalt  }
0x52: {  	_ =	shalt  }
0x53: {  	_ =	shalt  }
0x54: {  	_ =	shalt  }
0x55: {  	_ =	shalt  }
0x56: {  	_ =	shalt  }
0x57: {  	_ =	shalt  }
0x58: {  	_ =	shalt  }
0x59: {  	_ =	shalt  }
0x5a: {  	_ =	shalt  }
0x5b: {  	_ =	shalt  }
0x5c: {  	_ =	shalt  }
0x5d: {  	_ =	shalt  }
0x5e: {  	_ =	shalt  }
0x5f: {  	_ =	shalt  }
0x60: {  	_ =	shalt  }
0x61: {  	_ =	shalt  }
0x62: {  	_ =	shalt  }
0x63: {  	_ =	shalt  }
0x64: {  	_ =	shalt  }
0x65: {  	_ =	shalt  }
0x66: {  	_ =	shalt  }
0x67: {  	_ =	shalt  }
0x68: {  	_ =	shalt  }
0x69: {  	_ =	shalt  }
0x6a: {  	_ =	shalt  }
0x6b: {  	_ =	shalt  }
0x6c: {  	_ =	shalt  }
0x6d: {  	_ =	shalt  }
0x6e: {  	_ =	shalt  }
0x6f: {  	_ =	shalt  }
0x70: {  	_ =	shalt  }
0x71: {  	_ =	shalt  }
0x72: {  	_ =	shalt  }
0x73: {  	_ =	shalt  }
0x74: {  	_ =	shalt  }
0x75: {  	_ =	shalt  }
0x76: {  	_ =	shalt  }
0x77: {  	_ =	shalt  }
0x78: {  	_ =	shalt  }
0x79: {  	_ =	shalt  }
0x7a: {  	_ =	shalt  }
0x7b: {  	_ =	shalt  }
0x7c: {  	_ =	shalt  }
0x7d: {  	_ =	shalt  }
0x7e: {  	_ =	shalt  }
0x7f: {  	_ =	shalt  }
0x80: {  	_ =	shalt  }
0x81: {  	_ =	shalt  }
0x82: {  	_ =	shalt  }
0x83: {  	_ =	shalt  }
0x84: {  	_ =	shalt  }
0x85: {  	_ =	shalt  }
0x86: {  	_ =	shalt  }
0x87: {  	_ =	shalt  }
.Lfunc_end0:
.L_simem_size_0:
called_computation_lowered:
.L_overlay_start_0:
0x88: {  	s2 =	sld [smem:$0x3FD9]  }
0x89: {  	s3 =	sld [smem:$0x3FFE];
	_ =	sdelay $0x1  }
0x8a: {  	s1 =	srdreg.scid  }
0x8b: {  	s0 =	sand.u32 $0x1, s1  }
0x8c: {  	s14 =	sshll.u32 s0, $0xA;
	s2 =	sadd.s32 s3, s2  }
0x8d: {  	s2 =	sadd.s32 s2, s14  }
0x8e: {  	[smem:$0x3FC5] =	sst s2  }
0x8f: {  	_ = 	snop  }
0x90: {  	s2 =	sld [smem:$0x3FD0];
	_ =	sdelay $0x2  }
0x91: {  	s4 =	simm.s32 $0xA;
	s5 =	simm.s32 $0x10;
	s15 =	sld [smem:$0x3FC7]  }
0x92: {  	[smem:s5], [sflag:s4] =	dma.local [hbm:s2], $0x1  }
0x93: {  	_ =	swait.eq [sflag:s4], $0x1  }
0x94: {  	[sflag:s4] =	ssyncset.done $0x0  }
0x95: {  	[sflag:s4] =	ssyncadd.s32 $0xFFFFFFFF  }
0x96: {  	s16 =	sld [smem:$0x11];
	(tm) =	ssettm $0x1  }
0x97: {  	s17 =	sld [smem:$0x3FFB];
	_ =	sdelay $0x3  }
0x98: {  	_ =	strace s17  }
0x99: {  	s4 =	sld [smem:$0x3FFC];
	_ =	sdelay $0x3  }
0x9a: {  	_ =	strace s4  }
0x9b: {  	s4 =	sld [smem:$0x3FFD];
	_ =	sdelay $0x3  }
0x9c: {  	_ =	strace s4  }
0x9d: {  	_ =	strace $0x8FFFFFFF  }
0x9e: {  	s18 =	sld [smem:$0x3FDB];
	_ =	sdelay $0x1  }
0x9f: {  	s19 =	simm.s32 $_scs_section_size  }
0xa0: {  	s6 =	simm.s32 $_size__tile_overlayer_lowered;
	s7 =	simm.s32 $_tile_overlayer_lowered  }
0xa1: {  	s22 =	simm.s32 $0x1BFF;
	s21 =	sshll.u32 s7, $0x1;
	s4 =	sadd.s32 s19, s18  }
0xa2: {  	s8 =	simm.s32 $0x0;
	s20 =	sshll.u32 s6, $0x1;
	s6 =	sadd.s32 s21, s4  }
0xa3: {  	[timem:s8], [sflag:s22] =	dma.local [hbm:s6], s20  }
0xa4: {  	_ =	swait.ge [sflag:s22], s20  }
0xa5: {  	s5 =	ssub.s32 $0x0, s20;
	[sflag:s22] =	ssyncset.done $0x0  }
0xa6: {  	[sflag:s22] =	ssyncadd.s32 s5;
	_ =	sdelay $0x1  }
0xa7: {  	s23 =	simm.s32 $0x1B8B  }
0xa8: {  	_ =	swait.ge [sflag:s23], $0x1  }
0xa9: {  	[sflag:s23] =	ssyncset.done $0x0  }
0xaa: {  	s25 =	simm.s32 $0x1B8E;
	s24 =	sld [smem:$0x3FFE];
	[sflag:s23] =	ssyncadd.s32 $0xFFFFFFFF  }
0xab: {  	s26 =	simm.s32 $execute0_lowered;
	[smem:$0x3FD2] =	sst s25  }
0xac: {  	s6 =	sshll.u32 s26, $0x1;
	_ =	strace $0x80000046;
	[dreg:$0x1] =	wrdreg $0xFFFFFFFF  }
0xad: {  	s28 =	simm.s32 $_size_execute0_lowered;
	s4 =	sadd.s32 s4, s6;
	[dreg:$0x0] =	wrdreg $0x0  }
0xae: {  	s6 =	sshll.u32 s28, $0x1;
	[dreg:$0x2] =	wrdreg s4  }
0xaf: {  	[dreg:$0x3] =	wrdreg s6  }
0xb0: {  	[dreg:$0x4] =	wrdreg $0xC0  }
0xb1: {  	_ =	task [dreg:s8], $0x5FFFF  }
0xb2: {  	[dreg:$0x1] =	wrdreg $0xFFFFFFFF  }
0xb3: {  	[dreg:$0x0] =	wrdreg $0x60  }
0xb4: {  	[dreg:$0x2] =	wrdreg s24  }
0xb5: {  	[dreg:$0x3] =	wrdreg s15  }
0xb6: {  	[dreg:$0x4] =	wrdreg s16  }
0xb7: {  	[dreg:$0x5] =	wrdreg $0x9  }
0xb8: {  	_ =	task.clear_ibuf [dreg:s8], $0x6FFFF;
	_ =	strace $0x90000046  }
0xb9: {  	s29 =	simm.s32 $0x9;
	_ =	strace $0x80000048  }
0xba: {  	_ =	swait.ge [sflag:s29], $0x1  }
0xbb: {  	[sflag:s29] =	ssyncadd.s32 $0xFFFFFFFF  }
0xbc: {  	_ =	strace $0x90000048  }
0xbd: {  	_ =	sfence  }
0xbe: {  	s30 =	sld [smem:$0x0];
	_ =	sdelay $0x2  }
0xbf: {  	s31 =	sshll.u32 s1, $0xD;
	s1 =	sshrl.u32 s1, $0x2  }
0xc0: {  	s3 =	sand.u32 $0x4000, s31;
	s1 =	sadd.s32 s1, s30  }
0xc1: {  	s0 =	sor.u32 s3, s0;
	s1 =	sshll.u32 s1, $0x11  }
0xc2: {  	s0 =	sor.u32 s1, s0  }
0xc3: {  	s0 =	sadd.s32 $0x8F2B, s0  }
0xc4: {  	[sflag:s0] =	ssyncadd.remote.s32 $0x1  }
0xc5: {  	_ =	sfence.sel $0xFFFF  }
0xc6: {  	[dreg:$0x0] =	wrdreg $0xFFFFFFFF;
	(pc) =	sbr.abs _section_cstart, $3  }
0xc7: {  	[dreg:$0x1] =	wrdreg $0xFFFFFFFF  }
0xc8: {  	_ =	task.clear_ibuf [dreg:s8], $0x2FFFF;
	_ =	strace $0x9FFFFFFF  }
0xc9: {  	(tm) =	ssettm $0x7FFFFFFF  }
tec
execute0_lowered:
.L_overlay_start_1:
0x0: {  	(tag) =	ssettag $0x1  }
0x1: {  	s4 =	rddreg [dreg:$0x0]  }
0x2: {  	s1 =	rddreg [dreg:$0x1];
	v0 =	vlaneseq.u32;
	v6 =	vimm.s32 $0x97654321  }
0x3: {  	s5 =	rddreg [dreg:$0x2];
	v7 =	vimm.s32 $0x18100800;
	v8 =	vimm.s32 $0x38302820;
	vm1 =	vcmask $0x1F10  }
0x4: {  	s0 =	rddreg [dreg:$0x3];
	s6 =	srdreg.scid;
	vm0 =	vmmov $0xff;
	v20 =	vimm.s32 $0x1F;
	v1 =	vshrl.u32 v0, $0x3  }
0x5: {  	s2 =	stileid.u32;
	s3 =	simm.s32 $0x0;
	s11 =	simm.s32 $0x8180;
	v2 =	vor.u32 $0x10, v0;
	v3 =	vand.u32 $0x7, v0;
	v4 =	vor.u32 $0x20, v0  }
0x6: {  	s12 =	simm.s32 $0x8080;
	s13 =	simm.s32 $0x8200;
	s14 =	simm.s32 $0x8280;
	v9 =	vunpack.c.l.s4.s8 v6;
	v6 =	vor.u32 $0x30, v0;
	v10 =	vunpack.c.0.s8.s32 v7  }
0x7: {  	s15 =	simm.s32 $0x9280;
	s6 =	sand.u32 $0x1, s6;
	s7 =	sshll.u32 s2, $0x1;
	v11 =	vunpack.c.0.s8.s32 v8;
	v13 =	vor.u32 $0x50, v0;
	v14 =	vor.u32 $0x60, v0  }
0x8: {  	s16 =	simm.s32 $0x0;
	[smem:$0x7FF] =	sst s3;
	v15 =	vor.u32 $0x70, v0;
	v19 =	vor.u32 $0x8, v0;
	v5 =	vmul.u32 $0x8, v3;
	s7 =	sor.u32 s6, s7  }
0x9: {  	v1 =	vmul.u32 $0x20000000, v1;
	_ =	strace $0x80000047;
	s6 =	ssub.s32 $0x2, s6;
	s8 =	sshll.u32 s7, $0xC;
	v9 =	vunpack.c.0.s8.s32 v9;
	v10 =	vsel vm1, v11, v10  }
0xa: {  	s7 =	sshll.u32 s7, $0x9;
	s9 =	sshrl.u32 s6, $0x1;
	vm1 =	vcmask $0xF00;
	v11 =	vimm.f32 $0.0e+00;
	v7 =	vor.u32 $0x6, v5;
	s8 =	sadd.s32 s8, s4  }
0xb: {  	v8 =	vor.u32 $0x7, v5;
	s10 =	sadd.s32 s7, s4;
	s9 =	ssub.s32 s6, s9;
	s5 =	sadd.s32 s5, s7;
	v16 =	vor.u32 $0x46, v5;
	v17 =	vor.u32 $0x47, v5  }
0xc: {  	v18 =	vor.u32 $0x40, v5;
	s4 =	sadd.s32 $0xC00, s8;
	v12 =	vand.u32 $0xF, v9;
	s6 =	sadd.s32 $0x20C00, s10;
	s7 =	smax.u32 s9, $0x1;
	v9 =	vsel vm1, $0x3F800000, v11  }
0xd: {  	v11 =	vimm.s32 $0xF;
	s8 =	simm.s32 $0x1;
	s9 =	simm.s32 $0x8000;
	s10 =	simm.s32 $0x8100;
	v10 =	vcombine.low v10, v12;
	v12 =	vor.u32 $0x40, v0  }
.LBB2_1:
0xe: {  	[tilespmem:s3], [sflag:$0x1] =	stream.linear.gather [hbm4b:s4+s3], $0x8000, $0x38;
	[tilespmem:$0xA280] =	vst v63  }
0xf: {  	_ =	swait.ge [sflag:s8], $0x8000  }
0x10: {  	[sflag:s8] =	ssyncset.done $0x0  }
0x11: {  	[sflag:s8] =	ssyncadd.s32 $0xFFFF8000  }
0x12: {  	[tilespmem:s9], [sflag:$0x1] =	stream.linear.gather [hbm4b:s1+s3], $0x80, $0x38;
	[tilespmem:$0xA280] =	vst v63  }
0x13: {  	_ =	swait.ge [sflag:s8], $0x80  }
0x14: {  	[sflag:s8] =	ssyncset.done $0x0  }
0x15: {  	[sflag:s8] =	ssyncadd.s32 $0xFFFFFF80  }
0x16: {  	v21 =	vld [tilespmem:$0x8000]  }
0x17: {  	v22 =	vld [tilespmem:$0x8010]  }
0x18: {  	v23 =	vld [tilespmem:$0x8020]  }
0x19: {  	s17 =	simm.s32 $0x8;
	s18 =	simm.s32 $0x0;
	v24 =	vld [tilespmem:$0x8030]  }
.LBB2_2:
0x1a: {  	v25 =	vor.u32 s18, v0;
	_ =	sdelay $0x4  }
0x1b: {  	v25 =	vld.idx.msk [tilespmem:v25+s3+$0x0], $0xffff;
	_ =	sdelay $0x4  }
0x1c: {  	v25 =	vadd.f32 v25, v21;
	_ =	sdelay $0x1  }
0x1d: {  	vm1 =	vlt.s32 v25, $0x0;
	v26 =	vsub.s32 $0x80000000, v25  }
0x1e: {  	v26 =	vsel vm1, v26, v25  }
0x1f: {  	v26 =	vshra.s32 v26, $0x3  }
0x20: {  	v26 =	vadd.s32 v1, v26  }
0x21: {  	v26 =	vxor.u32 $0x80000000, v26  }
0x22: {  	(xrf1) =	vsort.ascd.msk.u32 $0xffff, v26, v25;
	_ =	sdelay $0xa  }
0x23: {  	v26 =	vor.u32 s18, v2;
	_ =	sdelay $0x2  }
0x24: {  	[tilespmem:$0x8080] =	vst v25;
	_, v25, _ =	vpop (xrf1)  }
0x25: {  	[tilespmem:$0x8100] =	vst v25  }
0x26: {  	v25 =	vld.idx.msk [tilespmem:v26+s3+$0x0], $0xffff;
	_ =	sdelay $0x4  }
0x27: {  	v25 =	vadd.f32 v25, v22;
	_ =	sdelay $0x1  }
0x28: {  	vm1 =	vlt.s32 v25, $0x0;
	v26 =	vsub.s32 $0x80000000, v25  }
0x29: {  	v26 =	vsel vm1, v26, v25  }
0x2a: {  	v26 =	vshra.s32 v26, $0x3  }
0x2b: {  	v26 =	vadd.s32 v1, v26  }
0x2c: {  	v26 =	vxor.u32 $0x80000000, v26  }
0x2d: {  	(xrf1) =	vsort.ascd.msk.u32 $0xffff, v26, v25;
	_ =	sdelay $0xa  }
0x2e: {  	v26 =	vor.u32 s18, v4;
	_ =	sdelay $0x2  }
0x2f: {  	[tilespmem:$0x8090] =	vst v25;
	_, v25, _ =	vpop (xrf1)  }
0x30: {  	[tilespmem:$0x8110] =	vst v25  }
0x31: {  	v25 =	vld.idx.msk [tilespmem:v26+s3+$0x0], $0xffff;
	_ =	sdelay $0x4  }
0x32: {  	v25 =	vadd.f32 v25, v23;
	_ =	sdelay $0x1  }
0x33: {  	vm1 =	vlt.s32 v25, $0x0;
	v26 =	vsub.s32 $0x80000000, v25  }
0x34: {  	v26 =	vsel vm1, v26, v25  }
0x35: {  	v26 =	vshra.s32 v26, $0x3  }
0x36: {  	v26 =	vadd.s32 v1, v26  }
0x37: {  	v26 =	vxor.u32 $0x80000000, v26  }
0x38: {  	(xrf1) =	vsort.ascd.msk.u32 $0xffff, v26, v25;
	_ =	sdelay $0xa  }
0x39: {  	v26 =	vor.u32 s18, v6;
	_ =	sdelay $0x2  }
0x3a: {  	[tilespmem:$0x80A0] =	vst v25;
	_, v25, _ =	vpop (xrf1)  }
0x3b: {  	[tilespmem:$0x8120] =	vst v25  }
0x3c: {  	v25 =	vld.idx.msk [tilespmem:v26+s3+$0x0], $0xffff;
	_ =	sdelay $0x4  }
0x3d: {  	v25 =	vadd.f32 v25, v24;
	_ =	sdelay $0x1  }
0x3e: {  	vm1 =	vlt.s32 v25, $0x0;
	v26 =	vsub.s32 $0x80000000, v25  }
0x3f: {  	v26 =	vsel vm1, v26, v25  }
0x40: {  	v26 =	vshra.s32 v26, $0x3  }
0x41: {  	v26 =	vadd.s32 v1, v26  }
0x42: {  	v26 =	vxor.u32 $0x80000000, v26  }
0x43: {  	(xrf1) =	vsort.ascd.msk.u32 $0xffff, v26, v25;
	_ =	sdelay $0xd  }
0x44: {  	[tilespmem:$0x80B0] =	vst v25;
	_, v25, _ =	vpop (xrf1)  }
0x45: {  	[tilespmem:$0x8130] =	vst v25  }
0x46: {  	v25 =	vld.idx.msk [tilespmem:v7+s10+$0x0], $0xffff  }
0x47: {  	v26 =	vld.idx.msk [tilespmem:v8+s10+$0x0], $0xffff;
	_ =	sdelay $0x4  }
0x48: {  	v25 =	vadd.f32 v26, v25;
	_ =	sdelay $0x1  }
0x49: {  	vm1 =	vlt.s32 v25, $0x0;
	v26 =	vsub.s32 $0x80000000, v25  }
0x4a: {  	v25 =	vsel vm1, v26, v25  }
0x4b: {  	v25 =	vand.u32 $0xFFFFFFF8, v25  }
0x4c: {  	v25 =	vor.u32 v0, v25  }
0x4d: {  	v25 =	vnsel vm0, $0x7FFFFFFF, v25  }
0x4e: {  	v26 =	vxor.u32 $0x80000000, v25  }
0x4f: {  	(xrf1) =	vsort.ascd.msk.u32 $0xffff, v26, v25;
	_ =	sdelay $0xd  }
0x50: {  	v25, _, _ =	vpop (xrf1)  }
0x51: {  	v25 =	vand.u32 $0x7, v25;
	_ =	sdelay $0x4  }
0x52: {  	[tilespmem:v25+s11+$0x0] =	vst.idx.msk $0xff, v9  }
0x53: {  	v25 =	vld.idx.msk [tilespmem:v3+s11+$0x0], $0xffff;
	_ =	sdelay $0x1  }
0x54: {  	v26 =	vld.idx.msk [tilespmem:v5+s12+$0x0], $0xffff;
	_ =	sdelay $0x2  }
0x55: {  	vm1 =	vgt.f32 v25, $5.000000000e-01  }
0x56: {  	vm1 =	vmand vm1, vm0  }
0x57: {  	v25 =	vnsel vm1, $0x0, v26  }
0x58: {  	vm1 =	vlt.s32 v25, $0x0;
	v26 =	vsub.s32 $0x80000000, v25  }
0x59: {  	v25 =	vsel vm1, v26, v25  }
0x5a: {  	v25 =	vand.u32 $0xFFFFFFC0, v25  }
0x5b: {  	v25 =	vor.u32 v10, v25  }
0x5c: {  	v26 =	vxor.u32 $0x80000000, v25  }
0x5d: {  	(xrf1) =	vsort.ascd.msk.u32 $0xffff, v26, v25;
	_ =	sdelay $0xd  }
0x5e: {  	v25, _, _ =	vpop (xrf1)  }
0x5f: {  	v25 =	vand.u32 $0x3F, v25  }
0x60: {  	v26 =	vor.u32 s18, v25;
	_ =	sdelay $0x4  }
0x61: {  	v26 =	vld.idx.msk [tilespmem:v26+s3+$0x0], $0xffff;
	_ =	sdelay $0x4  }
0x62: {  	v26 =	vnsel vm0, $0x0, v26  }
0x63: {  	(xrf2) =	vadd.scan.msk.f32 $0xffff, v26;
	_ =	sdelay $0x9  }
0x64: {  	v27, _, _ =	vpop (xrf2)  }
0x65: {  	[tilespmem:$0x8200] =	vst v27  }
0x66: {  	v27 =	vld.idx.msk [tilespmem:v11+s13+$0x0], $0xffff;
	_ =	sdelay $0x4  }
0x67: {  	v27 =	vadd.f32 $9.999999680e-21, v27;
	_ =	sdelay $0x1  }
0x68: {  	(erf) = vrcp.f32 v27;
	_ =	sdelay $0x6  }
0x69: {  	s19 =	sadd.s32 $0xFFFFFFF8, s17  }
0x6a: {  	v27 =	vor.u32 s19, v0  }
0x6b: {  	s31 =	sadd.s32 $0x40, s18;
	v28 =	vpop (erf)  }
0x6c: {  	v62 =	vor.u32 s31, v12;
	v26 =	vmul.f32 v28, v26;
	_ =	sdelay $0x1  }
0x6d: {  	v26 =	vmul.f32 $2.500000000e+00, v26  }
0x6e: {  	[tilespmem:v27+s14+$0x0] =	vst.idx.msk $0xff, v25  }
0x6f: {  	[tilespmem:v27+s15+$0x0] =	vst.idx.msk $0xff, v26  }
0x70: {  	v25 =	vld.idx.msk [tilespmem:v62+s3+$0x0], $0xffff;
	_ =	sdelay $0x4  }
0x71: {  	v25 =	vadd.f32 v25, v21;
	_ =	sdelay $0x1  }
0x72: {  	vm1 =	vlt.s32 v25, $0x0;
	v26 =	vsub.s32 $0x80000000, v25  }
0x73: {  	v26 =	vsel vm1, v26, v25  }
0x74: {  	v26 =	vshra.s32 v26, $0x3  }
0x75: {  	v26 =	vadd.s32 v1, v26  }
0x76: {  	v26 =	vxor.u32 $0x80000000, v26  }
0x77: {  	(xrf1) =	vsort.ascd.msk.u32 $0xffff, v26, v25;
	_ =	sdelay $0xa  }
0x78: {  	v26 =	vor.u32 s31, v13;
	_ =	sdelay $0x2  }
0x79: {  	[tilespmem:$0x80C0] =	vst v25;
	_, v25, _ =	vpop (xrf1)  }
0x7a: {  	[tilespmem:$0x8140] =	vst v25  }
0x7b: {  	v25 =	vld.idx.msk [tilespmem:v26+s3+$0x0], $0xffff;
	_ =	sdelay $0x4  }
0x7c: {  	v25 =	vadd.f32 v25, v22;
	_ =	sdelay $0x1  }
0x7d: {  	vm1 =	vlt.s32 v25, $0x0;
	v26 =	vsub.s32 $0x80000000, v25  }
0x7e: {  	v26 =	vsel vm1, v26, v25  }
0x7f: {  	v26 =	vshra.s32 v26, $0x3  }
0x80: {  	v26 =	vadd.s32 v1, v26  }
0x81: {  	v26 =	vxor.u32 $0x80000000, v26  }
0x82: {  	(xrf1) =	vsort.ascd.msk.u32 $0xffff, v26, v25;
	_ =	sdelay $0xa  }
0x83: {  	v26 =	vor.u32 s31, v14;
	_ =	sdelay $0x2  }
0x84: {  	[tilespmem:$0x80D0] =	vst v25;
	_, v25, _ =	vpop (xrf1)  }
0x85: {  	[tilespmem:$0x8150] =	vst v25  }
0x86: {  	v25 =	vld.idx.msk [tilespmem:v26+s3+$0x0], $0xffff;
	_ =	sdelay $0x4  }
0x87: {  	v25 =	vadd.f32 v25, v23;
	_ =	sdelay $0x1  }
0x88: {  	vm1 =	vlt.s32 v25, $0x0;
	v26 =	vsub.s32 $0x80000000, v25  }
0x89: {  	v26 =	vsel vm1, v26, v25  }
0x8a: {  	v26 =	vshra.s32 v26, $0x3  }
0x8b: {  	v26 =	vadd.s32 v1, v26  }
0x8c: {  	v26 =	vxor.u32 $0x80000000, v26  }
0x8d: {  	(xrf1) =	vsort.ascd.msk.u32 $0xffff, v26, v25;
	_ =	sdelay $0xa  }
0x8e: {  	v26 =	vor.u32 s31, v15;
	_ =	sdelay $0x2  }
0x8f: {  	[tilespmem:$0x80E0] =	vst v25;
	_, v25, _ =	vpop (xrf1)  }
0x90: {  	[tilespmem:$0x8160] =	vst v25  }
0x91: {  	v25 =	vld.idx.msk [tilespmem:v26+s3+$0x0], $0xffff;
	_ =	sdelay $0x4  }
0x92: {  	v25 =	vadd.f32 v25, v24;
	_ =	sdelay $0x1  }
0x93: {  	vm1 =	vlt.s32 v25, $0x0;
	v26 =	vsub.s32 $0x80000000, v25  }
0x94: {  	v26 =	vsel vm1, v26, v25  }
0x95: {  	v26 =	vshra.s32 v26, $0x3  }
0x96: {  	v26 =	vadd.s32 v1, v26  }
0x97: {  	v26 =	vxor.u32 $0x80000000, v26  }
0x98: {  	(xrf1) =	vsort.ascd.msk.u32 $0xffff, v26, v25;
	_ =	sdelay $0xd  }
0x99: {  	[tilespmem:$0x80F0] =	vst v25;
	_, v25, _ =	vpop (xrf1)  }
0x9a: {  	[tilespmem:$0x8170] =	vst v25  }
0x9b: {  	v25 =	vld.idx.msk [tilespmem:v16+s10+$0x0], $0xffff  }
0x9c: {  	v26 =	vld.idx.msk [tilespmem:v17+s10+$0x0], $0xffff;
	_ =	sdelay $0x4  }
0x9d: {  	v25 =	vadd.f32 v26, v25;
	_ =	sdelay $0x1  }
0x9e: {  	vm1 =	vlt.s32 v25, $0x0;
	v26 =	vsub.s32 $0x80000000, v25  }
0x9f: {  	v25 =	vsel vm1, v26, v25  }
0xa0: {  	v25 =	vand.u32 $0xFFFFFFF8, v25  }
0xa1: {  	v25 =	vor.u32 v0, v25  }
0xa2: {  	v25 =	vnsel vm0, $0x7FFFFFFF, v25  }
0xa3: {  	v26 =	vxor.u32 $0x80000000, v25  }
0xa4: {  	(xrf1) =	vsort.ascd.msk.u32 $0xffff, v26, v25;
	_ =	sdelay $0xd  }
0xa5: {  	v25, _, _ =	vpop (xrf1)  }
0xa6: {  	v25 =	vand.u32 $0x7, v25  }
0xa7: {  	v25 =	vor.u32 $0x8, v25;
	_ =	sdelay $0x4  }
0xa8: {  	[tilespmem:v25+s11+$0x0] =	vst.idx.msk $0xff, v9  }
0xa9: {  	v25 =	vld.idx.msk [tilespmem:v19+s11+$0x0], $0xffff;
	_ =	sdelay $0x1  }
0xaa: {  	v26 =	vld.idx.msk [tilespmem:v18+s12+$0x0], $0xffff;
	_ =	sdelay $0x2  }
0xab: {  	vm1 =	vgt.f32 v25, $5.000000000e-01  }
0xac: {  	vm1 =	vmand vm1, vm0  }
0xad: {  	v25 =	vnsel vm1, $0x0, v26  }
0xae: {  	vm1 =	vlt.s32 v25, $0x0;
	v26 =	vsub.s32 $0x80000000, v25  }
0xaf: {  	v25 =	vsel vm1, v26, v25  }
0xb0: {  	v25 =	vand.u32 $0xFFFFFFC0, v25  }
0xb1: {  	v25 =	vor.u32 v10, v25  }
0xb2: {  	v26 =	vxor.u32 $0x80000000, v25  }
0xb3: {  	(xrf1) =	vsort.ascd.msk.u32 $0xffff, v26, v25;
	_ =	sdelay $0xd  }
0xb4: {  	v25, _, _ =	vpop (xrf1)  }
0xb5: {  	v25 =	vand.u32 $0x3F, v25  }
0xb6: {  	v26 =	vor.u32 s31, v25;
	_ =	sdelay $0x4  }
0xb7: {  	v26 =	vld.idx.msk [tilespmem:v26+s3+$0x0], $0xffff;
	_ =	sdelay $0x4  }
0xb8: {  	v26 =	vnsel vm0, $0x0, v26  }
0xb9: {  	(xrf2) =	vadd.scan.msk.f32 $0xffff, v26;
	_ =	sdelay $0x9  }
0xba: {  	v27, _, _ =	vpop (xrf2)  }
0xbb: {  	[tilespmem:$0x8210] =	vst v27  }
0xbc: {  	v27 =	vld.idx.msk [tilespmem:v20+s13+$0x0], $0xffff;
	_ =	sdelay $0x4  }
0xbd: {  	v27 =	vadd.f32 $9.999999680e-21, v27;
	_ =	sdelay $0x1  }
0xbe: {  	(erf) = vrcp.f32 v27;
	_ =	sdelay $0x7  }
0xbf: {  	v27 =	vadd.s32 s17, v0  }
0xc0: {  	p0 =	sne.s32 s17, $0xFF8;
	v63 =	vpop (erf)  }
.Ltmp0:
0xc1: {  	v26 =	vmul.f32 v63, v26;
	(pc) =	sbr.rel @p0 .LBB2_2-.Ltmp0, $4  }
0xc2: {  	_ = 	snop  }
0xc3: {  	v26 =	vmul.f32 $2.500000000e+00, v26  }
0xc4: {  	[tilespmem:v27+s14+$0x0] =	vst.idx.msk $0xff, v25  }
0xc5: {  	s18 =	sadd.s32 $0x80, s18;
	s17 =	sadd.s32 $0x10, s17;
	[tilespmem:v27+s15+$0x0] =	vst.idx.msk $0xff, v26  }
0xc6: {  	[hbm4b:s5+s3] =	stream.linear.scatter [tilespmem:s14], [sflag:$0x1], $0x1000, $0x38;
	[tilespmem:$0xA280] =	vst v63  }
0xc7: {  	s16 =	sadd.s32 $0x1, s16;
	_ =	swait.ge [sflag:s8], $0x1000  }
0xc8: {  	p0 =	sne.s32 s16, s7;
	[sflag:s8] =	ssyncset.done $0x0  }
.Ltmp1:
0xc9: {  	[sflag:s8] =	ssyncadd.s32 $0xFFFFF000;
	(pc) =	sbr.rel @p0 .LBB2_1-.Ltmp1, $4  }
0xca: {  	[hbm4b:s6+s3] =	stream.linear.scatter [tilespmem:s15], [sflag:$0x1], $0x1000, $0x38;
	[tilespmem:$0xA280] =	vst v63  }
0xcb: {  	_ =	swait.ge [sflag:s8], $0x1000  }
0xcc: {  	[sflag:s8] =	ssyncset.done $0x0  }
0xcd: {  	[sflag:s8] =	ssyncadd.s32 $0xFFFFF000  }
0xce: {  	_ =	sfence.sel $0x180000  }
0xcf: {  	[bflag:$0x0] =	sbarrier.arrive $0xFFFF  }
0xd0: {  	p0 =	sne.s32 s2, $0x0;
	_ =	strace $0x90000047  }
0xd1: {  	s0 =	sadd.s32 @!p0 $0x100000, s0;
	[bflag:$0x2] =	sbarrier.arrive $0xFFFF  }
0xd2: {  	[sflag:s0] =	ssyncadd.tile.s32 @!p0 $0x1;
	_ =	shalt  }
.Lfunc_end2:
_tile_overlayer_lowered:
.L_overlay_start_2:
0xd3: {  	(tag) =	ssettag $0x2  }
0xd4: {  	s0 =	rddreg [dreg:$0x0];
	s2 =	stileid.u32  }
0xd5: {  	s1 =	rddreg [dreg:$0x1];
	p0 =	sne.s32 s2, $0x0  }
0xd6: {  	s3 =	rddreg [dreg:$0x2];
	[bflag:$0x3] =	sbarrier.arrive $0xFFFF;
	s2 =	simm.s32 @!p0 $0x1C01  }
0xd7: {  	[timem:s3], [sflag:s2] =	dma.local @!p0 [hbm:s0], s1  }
0xd8: {  	s0 =	simm.s32 @!p0 $0x1  }
0xd9: {  	_ =	swait.ge @!p0 [sflag:s0], s1  }
0xda: {  	s1 =	ssub.s32 @!p0 $0x0, s1;
	[sflag:s0] =	ssyncset.done @!p0 $0x0  }
0xdb: {  	[sflag:s0] =	ssyncadd.s32 @!p0 s1  }
0xdc: {  	[bflag:$0x3] =	sbarrier.arrive $0xFFFF  }
0xdd: {  	_ =	shalt  }

</sc_bundles>
